<compile_context>
chip_gen: v7x
topology: tpu7x:2x2x1
jax: 0.10.2.dev20260603
libtpu: 0.0.44.dev20260713+nightly
codegen_flags: <defaults>
</compile_context>

<pallas_src>
import jax
import jax.numpy as jnp
from jax import lax
from jax.experimental import pallas as pl
from jax.experimental.pallas import tpu as pltpu
from jax.experimental.pallas import tpu_sc as plsc

B = 8
HW = 112 * 112
P = 224 * 224
C = 96
NCB = 6
CB = 16
NC = 2
NS = 16
ROWS = HW // NS
PROWS = P // NS
ZW = PROWS
TASKS_PER_CORE = (B * NCB) // NC
UNROLL = 8


def _task_coords(cid, t):
  task = cid * TASKS_PER_CORE + t
  return task // NCB, (task % NCB) * CB


def _body(net_ref, mask_ref, out_ref,
          accum, mask_v, vals2_v, vals_v, idx_v, zero_v, drain_f, drain2,
          sem_z, sem_in, sem_out):
  cid = lax.axis_index("c")
  sid = lax.axis_index("s")
  lane = lax.iota(jnp.int32, 16)
  zf16 = jnp.zeros((16,), jnp.float32)

  def _zinit(j, _):
    zero_v[pl.ds(j * 16, 16)] = zf16
    return 0
  lax.fori_loop(0, ZW // 16, _zinit, 0)

  r0 = sid * ROWS

  def _stage_descs(b, cb):
    return (
        pltpu.make_async_copy(
            mask_ref.at[b, pl.ds(r0, ROWS), pl.ds(cb, CB)], mask_v, sem_in),
        pltpu.make_async_copy(
            net_ref.at[b, pl.ds(r0, ROWS), pl.ds(cb, CB)], vals2_v, sem_in),
    )

  b0, cb0 = _task_coords(cid, 0)
  for d in _stage_descs(b0, cb0):
    d.start()

  def task_body(t, _):
    b, cb = _task_coords(cid, t)
    base = sid * PROWS * CB

    zdescs = [
        pltpu.make_async_copy(
            zero_v, accum.at[pl.ds(base + q * ZW, ZW)], sem_z)
        for q in range(PROWS * CB // ZW)
    ]
    for d in zdescs:
      d.start()

    for d in _stage_descs(b, cb):
      d.wait()

    def decode(j4, _):
      for u in range(UNROLL):
        j = j4 * UNROLL + u
        m = mask_v[j]
        x = m >> 5
        a = x >> 10
        r = x & 1023
        p = a * 341 + (((a + r) * 683) >> 11)
        idx_v[pl.ds(j * 16, 16)] = p * CB + lane
        vals_v[pl.ds(j * 16, 16)] = vals2_v[j]
      return 0
    lax.fori_loop(0, ROWS // UNROLL, decode, 0)

    for d in zdescs:
      d.wait()

    plsc.subcore_barrier()

    pltpu.sync_copy(vals_v, accum.at[idx_v], add=True)

    plsc.subcore_barrier()

    @pl.when(t + 1 < TASKS_PER_CORE)
    def _():
      bn, cbn = _task_coords(cid, t + 1)
      for d in _stage_descs(bn, cbn):
        d.start()

    outd = None
    for q in range(4):
      pltpu.sync_copy(accum.at[pl.ds(base + q * HW, HW)], drain_f)
      if outd is not None:
        outd.wait()

      def review(j4, _):
        for u in range(UNROLL):
          j = j4 * UNROLL + u
          drain2[j] = drain_f[pl.ds(j * 16, 16)]
        return 0
      lax.fori_loop(0, ROWS // UNROLL, review, 0)

      outd = pltpu.make_async_copy(
          drain2,
          out_ref.at[b, pl.ds(sid * PROWS + q * ROWS, ROWS), pl.ds(cb, CB)],
          sem_out)
      outd.start()
    outd.wait()
    return 0

  lax.fori_loop(0, TASKS_PER_CORE, task_body, 0)


@jax.jit
def kernel(net, mask):
  net3 = net.reshape(B, HW, C)
  mask3 = mask.reshape(B, HW, C)
  mesh = plsc.VectorSubcoreMesh(
      core_axis_name="c", subcore_axis_name="s", num_cores=NC, num_subcores=NS)
  f = pl.kernel(
      _body,
      out_type=jax.ShapeDtypeStruct((B, P, C), jnp.float32),
      mesh=mesh,
      compiler_params=pltpu.CompilerParams(use_tc_tiling_on_sc=False),
      scratch_types=[
          pltpu.VMEM_SHARED((P * CB,), jnp.float32),
          pltpu.VMEM((ROWS, CB), jnp.int32),
          pltpu.VMEM((ROWS, CB), jnp.float32),
          pltpu.VMEM((HW,), jnp.float32),
          pltpu.VMEM((HW,), jnp.int32),
          pltpu.VMEM((ZW,), jnp.float32),
          pltpu.VMEM((HW,), jnp.float32),
          pltpu.VMEM((ROWS, CB), jnp.float32),
          pltpu.SemaphoreType.DMA,
          pltpu.SemaphoreType.DMA,
          pltpu.SemaphoreType.DMA,
      ],
  )
  out = f(net3, mask3)
  return out.reshape(B, 224, 224, C)

# --- scband reference (transcript-rebuilt; emitter-appended) ---
"""Pipeline reference for scband-de-pooling2-d-64235530879511 (READ-ONLY COPY).

The authoritative reference and input builder live on the scoring server;
editing this copy changes nothing except your own understanding.
"""

import jax, jax.numpy as jnp
import numpy as np

B, H, W, C = 8, 112, 112, 96
STRIDE = 2

def setup_inputs(seed: int = 0) -> dict:
    key = jax.random.key(seed)
    k1, k2 = jax.random.split(key)
    net = jax.random.normal(k1, (B, H, W, C), dtype=jnp.float32)
    # mask values are flattened argmax indices into the (H*stride, W*stride, C) output per batch
    mask = jax.random.randint(k2, (B, H, W, C), 0, H * STRIDE * W * STRIDE * C, dtype=jnp.int32)
    return {"net": net, "mask": mask}

def reference(net, mask):
    Bs, Hs, Ws, Cs = mask.shape
    Ho, Wo = Hs * STRIDE, Ws * STRIDE
    one_like_mask = jnp.ones_like(mask)
    batch_range = jnp.arange(Bs, dtype=mask.dtype).reshape(Bs, 1, 1, 1)
    b = one_like_mask * batch_range
    y = mask // (Wo * Cs)
    x = (mask % (Wo * Cs)) // Cs
    feature_range = jnp.arange(Cs, dtype=mask.dtype)
    f = one_like_mask * feature_range
    b_f = b.reshape(-1)
    y_f = y.reshape(-1)
    x_f = x.reshape(-1)
    f_f = f.reshape(-1)
    values = net.reshape(-1)
    out = jnp.zeros((Bs, Ho, Wo, Cs), dtype=net.dtype)
    # tf.scatter_nd accumulates duplicate indices, so use .add
    out = out.at[b_f, y_f, x_f, f_f].add(values)
    return out

if __name__ == "__main__":
    import jax
    _d = setup_inputs()
    print(jax.jit(kernel)(*tuple(_d.values())))

</pallas_src>

<mosaic_0001>
#map = affine_map<(d0, d1) -> (0, 0, 0)>
module attributes {stable_mosaic.version = 14 : i64} {
  func.func @_body(%arg0: i32, %arg1: i32, %arg2: memref<8x12544x96xf32, #tpu.memory_space<hbm>>, %arg3: memref<8x12544x96xi32, #tpu.memory_space<hbm>>, %arg4: memref<8x50176x96xf32, #tpu.memory_space<hbm>>, %arg5: memref<802816xf32, #tpu.memory_space<vmem_shared>>, %arg6: memref<784x16xi32, #tpu.memory_space<vmem>>, %arg7: memref<784x16xf32, #tpu.memory_space<vmem>>, %arg8: memref<12544xf32, #tpu.memory_space<vmem>>, %arg9: memref<12544xi32, #tpu.memory_space<vmem>>, %arg10: memref<3136xf32, #tpu.memory_space<vmem>>, %arg11: memref<12544xf32, #tpu.memory_space<vmem>>, %arg12: memref<784x16xf32, #tpu.memory_space<vmem>>, %arg13: memref<!tpu.dma_semaphore, #tpu.memory_space<semaphore_mem>>, %arg14: memref<!tpu.dma_semaphore, #tpu.memory_space<semaphore_mem>>, %arg15: memref<!tpu.dma_semaphore, #tpu.memory_space<semaphore_mem>>) attributes {dimension_semantics = [#tpu.dimension_semantics<core_parallel>, #tpu.dimension_semantics<subcore_parallel>], iteration_bounds = array<i64: 2, 16>, scalar_prefetch = 0 : i64, scratch_operands = 11 : i64, tpu.core_type = #tpu.core_type<sc_vector_subcore>, window_params = [{transform_indices = #map}, {transform_indices = #map}, {transform_indices = #map}]} {
    %iota3A = tpu.iota {dimensions = array<i32: 0>} : vector<16xi32>
    %broadcast_in_dim3A = arith.constant 0.000000e+00 : f32
    %broadcast_in_dim3A_0 = vector.broadcast %broadcast_in_dim3A : f32 to vector<16xf32>
    %scan3A = arith.constant 0 : i32
    %scan3A_1 = arith.constant 0 : i32
    %scan3A_2 = arith.constant 196 : i32
    %scan3A_3 = arith.addi %scan3A_1, %scan3A_2 : i32
    %scan3A_4 = arith.constant 1 : i32
    %scan3A_5 = scf.for %scan3A_57 = %scan3A_1 to %scan3A_3 step %scan3A_4 iter_args(%scan3A_58 = %scan3A) -> (i32)  : i32 {
      %mul3A_59 = arith.constant 16 : i32
      %mul3A_60 = arith.muli %scan3A_57, %mul3A_59 : i32
      %swap3A = arith.index_cast %mul3A_60 : i32 to index
      %swap3A_61 = tpu.vector_load %arg10[%swap3A] {strides = array<i32>} : memref<3136xf32, #tpu.memory_space<vmem>>, vector<16xf32>,
      %swap3A_62 = vector.shape_cast %swap3A_61 : vector<16xf32> to vector<16xf32>
      %swap3A_63 = vector.shape_cast %broadcast_in_dim3A_0 : vector<16xf32> to vector<16xf32>
      tpu.vector_store %arg10[%swap3A], %swap3A_63 {strides = array<i32>} : memref<3136xf32, #tpu.memory_space<vmem>>, vector<16xf32>,
      %scan3A_64 = arith.constant 0 : i32
      scf.yield %scan3A_64 : i32
    }
    %scan3A_6 = arith.constant 196 : i32
    %mul3A = arith.constant 784 : i32
    %mul3A_7 = arith.muli %arg1, %mul3A : i32
    %mul3A_8 = arith.constant 24 : i32
    %mul3A_9 = arith.muli %arg0, %mul3A_8 : i32
    %add3A = arith.constant 0 : i32
    %add3A_10 = arith.addi %mul3A_9, %add3A : i32
    %jit3A = arith.constant 6 : i32
    %div3A = arith.divsi %add3A_10, %jit3A : i32
    %sign3A = arith.constant 0 : i32
    %sign3A_11 = arith.cmpi sgt, %add3A_10, %sign3A : i32
    %sign3A_12 = arith.extui %sign3A_11 : i1 to i32
    %sign3A_13 = arith.constant 0 : i32
    %sign3A_14 = arith.cmpi slt, %add3A_10, %sign3A_13 : i32
    %sign3A_15 = arith.extui %sign3A_14 : i1 to i32
    %sign3A_16 = arith.subi %sign3A_12, %sign3A_15 : i32
    %sign3A_17 = arith.constant 0 : i32
    %sign3A_18 = arith.cmpi sgt, %jit3A, %sign3A_17 : i32
    %sign3A_19 = arith.extui %sign3A_18 : i1 to i32
    %sign3A_20 = arith.constant 0 : i32
    %sign3A_21 = arith.cmpi slt, %jit3A, %sign3A_20 : i32
    %sign3A_22 = arith.extui %sign3A_21 : i1 to i32
    %sign3A_23 = arith.subi %sign3A_19, %sign3A_22 : i32
    %ne3A = arith.cmpi ne, %sign3A_16, %sign3A_23 : i32
    %rem3A = arith.remsi %add3A_10, %jit3A : i32
    %ne3A_24 = arith.constant 0 : i32
    %ne3A_25 = arith.cmpi ne, %rem3A, %ne3A_24 : i32
    %and3A = arith.andi %ne3A, %ne3A_25 : i1
    %sub3A = arith.constant 1 : i32
    %sub3A_26 = arith.subi %div3A, %sub3A : i32
    %select_n3A = arith.select %and3A, %sub3A_26, %div3A : i32
    %jit3A_27 = arith.constant 6 : i32
    %eq3A = arith.constant 0 : i32
    %eq3A_28 = arith.cmpi eq, %jit3A_27, %eq3A : i32
    %jit3A_29 = arith.constant 1 : i32
    %select_n3A_30 = arith.select %eq3A_28, %jit3A_29, %jit3A_27 : i32
    %rem3A_31 = arith.remsi %add3A_10, %select_n3A_30 : i32
    %ne3A_32 = arith.constant 0 : i32
    %ne3A_33 = arith.cmpi ne, %rem3A_31, %ne3A_32 : i32
    %lt3A = arith.constant 0 : i32
    %lt3A_34 = arith.cmpi slt, %rem3A_31, %lt3A : i32
    %lt3A_35 = arith.constant 0 : i32
    %lt3A_36 = arith.cmpi slt, %select_n3A_30, %lt3A_35 : i32
    %ne3A_37 = arith.xori %lt3A_34, %lt3A_36 : i1
    %and3A_38 = arith.andi %ne3A_37, %ne3A_33 : i1
    %add3A_39 = arith.addi %rem3A_31, %select_n3A_30 : i32
    %select_n3A_40 = arith.select %and3A_38, %add3A_39, %rem3A_31 : i32
    %mul3A_41 = arith.constant 16 : i32
    %mul3A_42 = arith.muli %select_n3A_40, %mul3A_41 : i32
    %dma_start3A = tpu.memref_slice %arg3[%select_n3A, %mul3A_7, %mul3A_42] : memref<8x12544x96xi32, #tpu.memory_space<hbm>> -> memref<1x784x16xi32, #tpu.memory_space<hbm>>
    %dma_start3A_43 = tpu.memref_squeeze %dma_start3A : memref<1x784x16xi32, #tpu.memory_space<hbm>> -> memref<784x16xi32, #tpu.memory_space<hbm>>
    %dma_start3A_44 = tpu.memref_slice %arg3[%select_n3A, %mul3A_7, %mul3A_42] : memref<8x12544x96xi32, #tpu.memory_space<hbm>> -> memref<1x784x16xi32, #tpu.memory_space<hbm>>
    %dma_start3A_45 = tpu.memref_squeeze %dma_start3A_44 : memref<1x784x16xi32, #tpu.memory_space<hbm>> -> memref<784x16xi32, #tpu.memory_space<hbm>>
    tpu.enqueue_dma source(%dma_start3A_45 : memref<784x16xi32, #tpu.memory_space<hbm>>) target(%arg6 : memref<784x16xi32, #tpu.memory_space<vmem>>) target_semaphore(%arg14 : memref<!tpu.dma_semaphore, #tpu.memory_space<semaphore_mem>>)
    %dma_start3A_46 = tpu.memref_slice %arg2[%select_n3A, %mul3A_7, %mul3A_42] : memref<8x12544x96xf32, #tpu.memory_space<hbm>> -> memref<1x784x16xf32, #tpu.memory_space<hbm>>
    %dma_start3A_47 = tpu.memref_squeeze %dma_start3A_46 : memref<1x784x16xf32, #tpu.memory_space<hbm>> -> memref<784x16xf32, #tpu.memory_space<hbm>>
    %dma_start3A_48 = tpu.memref_slice %arg2[%select_n3A, %mul3A_7, %mul3A_42] : memref<8x12544x96xf32, #tpu.memory_space<hbm>> -> memref<1x784x16xf32, #tpu.memory_space<hbm>>
    %dma_start3A_49 = tpu.memref_squeeze %dma_start3A_48 : memref<1x784x16xf32, #tpu.memory_space<hbm>> -> memref<784x16xf32, #tpu.memory_space<hbm>>
    tpu.enqueue_dma source(%dma_start3A_49 : memref<784x16xf32, #tpu.memory_space<hbm>>) target(%arg7 : memref<784x16xf32, #tpu.memory_space<vmem>>) target_semaphore(%arg14 : memref<!tpu.dma_semaphore, #tpu.memory_space<semaphore_mem>>)
    %scan3A_50 = arith.constant 0 : i32
    %scan3A_51 = arith.constant 0 : i32
    %scan3A_52 = arith.constant 24 : i32
    %scan3A_53 = arith.addi %scan3A_51, %scan3A_52 : i32
    %scan3A_54 = arith.constant 1 : i32
    %scan3A_55 = scf.for %scan3A_57 = %scan3A_51 to %scan3A_53 step %scan3A_54 iter_args(%scan3A_58 = %scan3A_50) -> (i32)  : i32 {
      %mul3A_59 = arith.constant 24 : i32
      %mul3A_60 = arith.muli %arg0, %mul3A_59 : i32
      %add3A_61 = arith.addi %mul3A_60, %scan3A_57 : i32
      %jit3A_62 = arith.constant 6 : i32
      %div3A_63 = arith.divsi %add3A_61, %jit3A_62 : i32
      %sign3A_64 = arith.constant 0 : i32
      %sign3A_65 = arith.cmpi sgt, %add3A_61, %sign3A_64 : i32
      %sign3A_66 = arith.extui %sign3A_65 : i1 to i32
      %sign3A_67 = arith.constant 0 : i32
      %sign3A_68 = arith.cmpi slt, %add3A_61, %sign3A_67 : i32
      %sign3A_69 = arith.extui %sign3A_68 : i1 to i32
      %sign3A_70 = arith.subi %sign3A_66, %sign3A_69 : i32
      %sign3A_71 = arith.constant 0 : i32
      %sign3A_72 = arith.cmpi sgt, %jit3A_62, %sign3A_71 : i32
      %sign3A_73 = arith.extui %sign3A_72 : i1 to i32
      %sign3A_74 = arith.constant 0 : i32
      %sign3A_75 = arith.cmpi slt, %jit3A_62, %sign3A_74 : i32
      %sign3A_76 = arith.extui %sign3A_75 : i1 to i32
      %sign3A_77 = arith.subi %sign3A_73, %sign3A_76 : i32
      %ne3A_78 = arith.cmpi ne, %sign3A_70, %sign3A_77 : i32
      %rem3A_79 = arith.remsi %add3A_61, %jit3A_62 : i32
      %ne3A_80 = arith.constant 0 : i32
      %ne3A_81 = arith.cmpi ne, %rem3A_79, %ne3A_80 : i32
      %and3A_82 = arith.andi %ne3A_78, %ne3A_81 : i1
      %sub3A_83 = arith.constant 1 : i32
      %sub3A_84 = arith.subi %div3A_63, %sub3A_83 : i32
      %select_n3A_85 = arith.select %and3A_82, %sub3A_84, %div3A_63 : i32
      %jit3A_86 = arith.constant 6 : i32
      %eq3A_87 = arith.constant 0 : i32
      %eq3A_88 = arith.cmpi eq, %jit3A_86, %eq3A_87 : i32
      %jit3A_89 = arith.constant 1 : i32
      %select_n3A_90 = arith.select %eq3A_88, %jit3A_89, %jit3A_86 : i32
      %rem3A_91 = arith.remsi %add3A_61, %select_n3A_90 : i32
      %ne3A_92 = arith.constant 0 : i32
      %ne3A_93 = arith.cmpi ne, %rem3A_91, %ne3A_92 : i32
      %lt3A_94 = arith.constant 0 : i32
      %lt3A_95 = arith.cmpi slt, %rem3A_91, %lt3A_94 : i32
      %lt3A_96 = arith.constant 0 : i32
      %lt3A_97 = arith.cmpi slt, %select_n3A_90, %lt3A_96 : i32
      %ne3A_98 = arith.xori %lt3A_95, %lt3A_97 : i1
      %and3A_99 = arith.andi %ne3A_98, %ne3A_93 : i1
      %add3A_100 = arith.addi %rem3A_91, %select_n3A_90 : i32
      %select_n3A_101 = arith.select %and3A_99, %add3A_100, %rem3A_91 : i32
      %mul3A_102 = arith.constant 16 : i32
      %mul3A_103 = arith.muli %select_n3A_101, %mul3A_102 : i32
      %mul3A_104 = arith.constant 3136 : i32
      %mul3A_105 = arith.muli %arg1, %mul3A_104 : i32
      %mul3A_106 = arith.constant 16 : i32
      %mul3A_107 = arith.muli %mul3A_105, %mul3A_106 : i32
      %add3A_108 = arith.constant 0 : i32
      %add3A_109 = arith.addi %mul3A_107, %add3A_108 : i32
      %add3A_110 = arith.constant 3136 : i32
      %add3A_111 = arith.addi %mul3A_107, %add3A_110 : i32
      %add3A_112 = arith.constant 6272 : i32
      %add3A_113 = arith.addi %mul3A_107, %add3A_112 : i32
      %add3A_114 = arith.constant 9408 : i32
      %add3A_115 = arith.addi %mul3A_107, %add3A_114 : i32
      %add3A_116 = arith.constant 12544 : i32
      %add3A_117 = arith.addi %mul3A_107, %add3A_116 : i32
      %add3A_118 = arith.constant 15680 : i32
      %add3A_119 = arith.addi %mul3A_107, %add3A_118 : i32
      %add3A_120 = arith.constant 18816 : i32
      %add3A_121 = arith.addi %mul3A_107, %add3A_120 : i32
      %add3A_122 = arith.constant 21952 : i32
      %add3A_123 = arith.addi %mul3A_107, %add3A_122 : i32
      %add3A_124 = arith.constant 25088 : i32
      %add3A_125 = arith.addi %mul3A_107, %add3A_124 : i32
      %add3A_126 = arith.constant 28224 : i32
      %add3A_127 = arith.addi %mul3A_107, %add3A_126 : i32
      %add3A_128 = arith.constant 31360 : i32
      %add3A_129 = arith.addi %mul3A_107, %add3A_128 : i32
      %add3A_130 = arith.constant 34496 : i32
      %add3A_131 = arith.addi %mul3A_107, %add3A_130 : i32
      %add3A_132 = arith.constant 37632 : i32
      %add3A_133 = arith.addi %mul3A_107, %add3A_132 : i32
      %add3A_134 = arith.constant 40768 : i32
      %add3A_135 = arith.addi %mul3A_107, %add3A_134 : i32
      %add3A_136 = arith.constant 43904 : i32
      %add3A_137 = arith.addi %mul3A_107, %add3A_136 : i32
      %add3A_138 = arith.constant 47040 : i32
      %add3A_139 = arith.addi %mul3A_107, %add3A_138 : i32
      %dma_start3A_140 = tpu.memref_slice %arg5[%add3A_109] : memref<802816xf32, #tpu.memory_space<vmem_shared>> -> memref<3136xf32, #tpu.memory_space<vmem_shared>>
      %dma_start3A_141 = tpu.memref_slice %arg5[%add3A_109] : memref<802816xf32, #tpu.memory_space<vmem_shared>> -> memref<3136xf32, #tpu.memory_space<vmem_shared>>
      tpu.enqueue_dma source(%arg10 : memref<3136xf32, #tpu.memory_space<vmem>>) target(%dma_start3A_141 : memref<3136xf32, #tpu.memory_space<vmem_shared>>) target_semaphore(%arg13 : memref<!tpu.dma_semaphore, #tpu.memory_space<semaphore_mem>>)
      %dma_start3A_142 = tpu.memref_slice %arg5[%add3A_111] : memref<802816xf32, #tpu.memory_space<vmem_shared>> -> memref<3136xf32, #tpu.memory_space<vmem_shared>>
      %dma_start3A_143 = tpu.memref_slice %arg5[%add3A_111] : memref<802816xf32, #tpu.memory_space<vmem_shared>> -> memref<3136xf32, #tpu.memory_space<vmem_shared>>
      tpu.enqueue_dma source(%arg10 : memref<3136xf32, #tpu.memory_space<vmem>>) target(%dma_start3A_143 : memref<3136xf32, #tpu.memory_space<vmem_shared>>) target_semaphore(%arg13 : memref<!tpu.dma_semaphore, #tpu.memory_space<semaphore_mem>>)
      %dma_start3A_144 = tpu.memref_slice %arg5[%add3A_113] : memref<802816xf32, #tpu.memory_space<vmem_shared>> -> memref<3136xf32, #tpu.memory_space<vmem_shared>>
      %dma_start3A_145 = tpu.memref_slice %arg5[%add3A_113] : memref<802816xf32, #tpu.memory_space<vmem_shared>> -> memref<3136xf32, #tpu.memory_space<vmem_shared>>
      tpu.enqueue_dma source(%arg10 : memref<3136xf32, #tpu.memory_space<vmem>>) target(%dma_start3A_145 : memref<3136xf32, #tpu.memory_space<vmem_shared>>) target_semaphore(%arg13 : memref<!tpu.dma_semaphore, #tpu.memory_space<semaphore_mem>>)
      %dma_start3A_146 = tpu.memref_slice %arg5[%add3A_115] : memref<802816xf32, #tpu.memory_space<vmem_shared>> -> memref<3136xf32, #tpu.memory_space<vmem_shared>>
      %dma_start3A_147 = tpu.memref_slice %arg5[%add3A_115] : memref<802816xf32, #tpu.memory_space<vmem_shared>> -> memref<3136xf32, #tpu.memory_space<vmem_shared>>
      tpu.enqueue_dma source(%arg10 : memref<3136xf32, #tpu.memory_space<vmem>>) target(%dma_start3A_147 : memref<3136xf32, #tpu.memory_space<vmem_shared>>) target_semaphore(%arg13 : memref<!tpu.dma_semaphore, #tpu.memory_space<semaphore_mem>>)
      %dma_start3A_148 = tpu.memref_slice %arg5[%add3A_117] : memref<802816xf32, #tpu.memory_space<vmem_shared>> -> memref<3136xf32, #tpu.memory_space<vmem_shared>>
      %dma_start3A_149 = tpu.memref_slice %arg5[%add3A_117] : memref<802816xf32, #tpu.memory_space<vmem_shared>> -> memref<3136xf32, #tpu.memory_space<vmem_shared>>
      tpu.enqueue_dma source(%arg10 : memref<3136xf32, #tpu.memory_space<vmem>>) target(%dma_start3A_149 : memref<3136xf32, #tpu.memory_space<vmem_shared>>) target_semaphore(%arg13 : memref<!tpu.dma_semaphore, #tpu.memory_space<semaphore_mem>>)
      %dma_start3A_150 = tpu.memref_slice %arg5[%add3A_119] : memref<802816xf32, #tpu.memory_space<vmem_shared>> -> memref<3136xf32, #tpu.memory_space<vmem_shared>>
      %dma_start3A_151 = tpu.memref_slice %arg5[%add3A_119] : memref<802816xf32, #tpu.memory_space<vmem_shared>> -> memref<3136xf32, #tpu.memory_space<vmem_shared>>
      tpu.enqueue_dma source(%arg10 : memref<3136xf32, #tpu.memory_space<vmem>>) target(%dma_start3A_151 : memref<3136xf32, #tpu.memory_space<vmem_shared>>) target_semaphore(%arg13 : memref<!tpu.dma_semaphore, #tpu.memory_space<semaphore_mem>>)
      %dma_start3A_152 = tpu.memref_slice %arg5[%add3A_121] : memref<802816xf32, #tpu.memory_space<vmem_shared>> -> memref<3136xf32, #tpu.memory_space<vmem_shared>>
      %dma_start3A_153 = tpu.memref_slice %arg5[%add3A_121] : memref<802816xf32, #tpu.memory_space<vmem_shared>> -> memref<3136xf32, #tpu.memory_space<vmem_shared>>
      tpu.enqueue_dma source(%arg10 : memref<3136xf32, #tpu.memory_space<vmem>>) target(%dma_start3A_153 : memref<3136xf32, #tpu.memory_space<vmem_shared>>) target_semaphore(%arg13 : memref<!tpu.dma_semaphore, #tpu.memory_space<semaphore_mem>>)
      %dma_start3A_154 = tpu.memref_slice %arg5[%add3A_123] : memref<802816xf32, #tpu.memory_space<vmem_shared>> -> memref<3136xf32, #tpu.memory_space<vmem_shared>>
      %dma_start3A_155 = tpu.memref_slice %arg5[%add3A_123] : memref<802816xf32, #tpu.memory_space<vmem_shared>> -> memref<3136xf32, #tpu.memory_space<vmem_shared>>
      tpu.enqueue_dma source(%arg10 : memref<3136xf32, #tpu.memory_space<vmem>>) target(%dma_start3A_155 : memref<3136xf32, #tpu.memory_space<vmem_shared>>) target_semaphore(%arg13 : memref<!tpu.dma_semaphore, #tpu.memory_space<semaphore_mem>>)
      %dma_start3A_156 = tpu.memref_slice %arg5[%add3A_125] : memref<802816xf32, #tpu.memory_space<vmem_shared>> -> memref<3136xf32, #tpu.memory_space<vmem_shared>>
      %dma_start3A_157 = tpu.memref_slice %arg5[%add3A_125] : memref<802816xf32, #tpu.memory_space<vmem_shared>> -> memref<3136xf32, #tpu.memory_space<vmem_shared>>
      tpu.enqueue_dma source(%arg10 : memref<3136xf32, #tpu.memory_space<vmem>>) target(%dma_start3A_157 : memref<3136xf32, #tpu.memory_space<vmem_shared>>) target_semaphore(%arg13 : memref<!tpu.dma_semaphore, #tpu.memory_space<semaphore_mem>>)
      %dma_start3A_158 = tpu.memref_slice %arg5[%add3A_127] : memref<802816xf32, #tpu.memory_space<vmem_shared>> -> memref<3136xf32, #tpu.memory_space<vmem_shared>>
      %dma_start3A_159 = tpu.memref_slice %arg5[%add3A_127] : memref<802816xf32, #tpu.memory_space<vmem_shared>> -> memref<3136xf32, #tpu.memory_space<vmem_shared>>
      tpu.enqueue_dma source(%arg10 : memref<3136xf32, #tpu.memory_space<vmem>>) target(%dma_start3A_159 : memref<3136xf32, #tpu.memory_space<vmem_shared>>) target_semaphore(%arg13 : memref<!tpu.dma_semaphore, #tpu.memory_space<semaphore_mem>>)
      %dma_start3A_160 = tpu.memref_slice %arg5[%add3A_129] : memref<802816xf32, #tpu.memory_space<vmem_shared>> -> memref<3136xf32, #tpu.memory_space<vmem_shared>>
      %dma_start3A_161 = tpu.memref_slice %arg5[%add3A_129] : memref<802816xf32, #tpu.memory_space<vmem_shared>> -> memref<3136xf32, #tpu.memory_space<vmem_shared>>
      tpu.enqueue_dma source(%arg10 : memref<3136xf32, #tpu.memory_space<vmem>>) target(%dma_start3A_161 : memref<3136xf32, #tpu.memory_space<vmem_shared>>) target_semaphore(%arg13 : memref<!tpu.dma_semaphore, #tpu.memory_space<semaphore_mem>>)
      %dma_start3A_162 = tpu.memref_slice %arg5[%add3A_131] : memref<802816xf32, #tpu.memory_space<vmem_shared>> -> memref<3136xf32, #tpu.memory_space<vmem_shared>>
      %dma_start3A_163 = tpu.memref_slice %arg5[%add3A_131] : memref<802816xf32, #tpu.memory_space<vmem_shared>> -> memref<3136xf32, #tpu.memory_space<vmem_shared>>
      tpu.enqueue_dma source(%arg10 : memref<3136xf32, #tpu.memory_space<vmem>>) target(%dma_start3A_163 : memref<3136xf32, #tpu.memory_space<vmem_shared>>) target_semaphore(%arg13 : memref<!tpu.dma_semaphore, #tpu.memory_space<semaphore_mem>>)
      %dma_start3A_164 = tpu.memref_slice %arg5[%add3A_133] : memref<802816xf32, #tpu.memory_space<vmem_shared>> -> memref<3136xf32, #tpu.memory_space<vmem_shared>>
      %dma_start3A_165 = tpu.memref_slice %arg5[%add3A_133] : memref<802816xf32, #tpu.memory_space<vmem_shared>> -> memref<3136xf32, #tpu.memory_space<vmem_shared>>
      tpu.enqueue_dma source(%arg10 : memref<3136xf32, #tpu.memory_space<vmem>>) target(%dma_start3A_165 : memref<3136xf32, #tpu.memory_space<vmem_shared>>) target_semaphore(%arg13 : memref<!tpu.dma_semaphore, #tpu.memory_space<semaphore_mem>>)
      %dma_start3A_166 = tpu.memref_slice %arg5[%add3A_135] : memref<802816xf32, #tpu.memory_space<vmem_shared>> -> memref<3136xf32, #tpu.memory_space<vmem_shared>>
      %dma_start3A_167 = tpu.memref_slice %arg5[%add3A_135] : memref<802816xf32, #tpu.memory_space<vmem_shared>> -> memref<3136xf32, #tpu.memory_space<vmem_shared>>
      tpu.enqueue_dma source(%arg10 : memref<3136xf32, #tpu.memory_space<vmem>>) target(%dma_start3A_167 : memref<3136xf32, #tpu.memory_space<vmem_shared>>) target_semaphore(%arg13 : memref<!tpu.dma_semaphore, #tpu.memory_space<semaphore_mem>>)
      %dma_start3A_168 = tpu.memref_slice %arg5[%add3A_137] : memref<802816xf32, #tpu.memory_space<vmem_shared>> -> memref<3136xf32, #tpu.memory_space<vmem_shared>>
      %dma_start3A_169 = tpu.memref_slice %arg5[%add3A_137] : memref<802816xf32, #tpu.memory_space<vmem_shared>> -> memref<3136xf32, #tpu.memory_space<vmem_shared>>
      tpu.enqueue_dma source(%arg10 : memref<3136xf32, #tpu.memory_space<vmem>>) target(%dma_start3A_169 : memref<3136xf32, #tpu.memory_space<vmem_shared>>) target_semaphore(%arg13 : memref<!tpu.dma_semaphore, #tpu.memory_space<semaphore_mem>>)
      %dma_start3A_170 = tpu.memref_slice %arg5[%add3A_139] : memref<802816xf32, #tpu.memory_space<vmem_shared>> -> memref<3136xf32, #tpu.memory_space<vmem_shared>>
      %dma_start3A_171 = tpu.memref_slice %arg5[%add3A_139] : memref<802816xf32, #tpu.memory_space<vmem_shared>> -> memref<3136xf32, #tpu.memory_space<vmem_shared>>
      tpu.enqueue_dma source(%arg10 : memref<3136xf32, #tpu.memory_space<vmem>>) target(%dma_start3A_171 : memref<3136xf32, #tpu.memory_space<vmem_shared>>) target_semaphore(%arg13 : memref<!tpu.dma_semaphore, #tpu.memory_space<semaphore_mem>>)
      %dma_wait3A = tpu.memref_slice %arg3[%select_n3A_85, %mul3A_7, %mul3A_103] : memref<8x12544x96xi32, #tpu.memory_space<hbm>> -> memref<1x784x16xi32, #tpu.memory_space<hbm>>
      %dma_wait3A_172 = tpu.memref_squeeze %dma_wait3A : memref<1x784x16xi32, #tpu.memory_space<hbm>> -> memref<784x16xi32, #tpu.memory_space<hbm>>
      %dma_wait3A_173 = tpu.memref_slice %arg3[%select_n3A_85, %mul3A_7, %mul3A_103] : memref<8x12544x96xi32, #tpu.memory_space<hbm>> -> memref<1x784x16xi32, #tpu.memory_space<hbm>>
      %dma_wait3A_174 = tpu.memref_squeeze %dma_wait3A_173 : memref<1x784x16xi32, #tpu.memory_space<hbm>> -> memref<784x16xi32, #tpu.memory_space<hbm>>
      tpu.wait_dma2 semaphore(%arg14 : memref<!tpu.dma_semaphore, #tpu.memory_space<semaphore_mem>>) src(%dma_wait3A_174 : memref<784x16xi32, #tpu.memory_space<hbm>>) dst(%arg6 : memref<784x16xi32, #tpu.memory_space<vmem>>)
      %dma_wait3A_175 = tpu.memref_slice %arg2[%select_n3A_85, %mul3A_7, %mul3A_103] : memref<8x12544x96xf32, #tpu.memory_space<hbm>> -> memref<1x784x16xf32, #tpu.memory_space<hbm>>
      %dma_wait3A_176 = tpu.memref_squeeze %dma_wait3A_175 : memref<1x784x16xf32, #tpu.memory_space<hbm>> -> memref<784x16xf32, #tpu.memory_space<hbm>>
      %dma_wait3A_177 = tpu.memref_slice %arg2[%select_n3A_85, %mul3A_7, %mul3A_103] : memref<8x12544x96xf32, #tpu.memory_space<hbm>> -> memref<1x784x16xf32, #tpu.memory_space<hbm>>
      %dma_wait3A_178 = tpu.memref_squeeze %dma_wait3A_177 : memref<1x784x16xf32, #tpu.memory_space<hbm>> -> memref<784x16xf32, #tpu.memory_space<hbm>>
      tpu.wait_dma2 semaphore(%arg14 : memref<!tpu.dma_semaphore, #tpu.memory_space<semaphore_mem>>) src(%dma_wait3A_178 : memref<784x16xf32, #tpu.memory_space<hbm>>) dst(%arg7 : memref<784x16xf32, #tpu.memory_space<vmem>>)
      %scan3A_179 = arith.constant 0 : i32
      %scan3A_180 = arith.constant 0 : i32
      %scan3A_181 = arith.constant 98 : i32
      %scan3A_182 = arith.addi %scan3A_180, %scan3A_181 : i32
      %scan3A_183 = arith.constant 1 : i32
      %scan3A_184 = scf.for %scan3A_309 = %scan3A_180 to %scan3A_182 step %scan3A_183 iter_args(%scan3A_310 = %scan3A_179) -> (i32)  : i32 {
        %mul3A_311 = arith.constant 8 : i32
        %mul3A_312 = arith.muli %scan3A_309, %mul3A_311 : i32
        %add3A_313 = arith.constant 0 : i32
        %add3A_314 = arith.addi %mul3A_312, %add3A_313 : i32
        %get3A = arith.index_cast %add3A_314 : i32 to index
        %get3A_315 = arith.constant 0 : index
        %get3A_316 = tpu.vector_load %arg6[%get3A, %get3A_315] {strides = array<i32>} : memref<784x16xi32, #tpu.memory_space<vmem>>, vector<1x16xi32>,
        %get3A_317 = vector.shape_cast %get3A_316 : vector<1x16xi32> to vector<16xi32>
        %shift_right_arithmetic3A = arith.constant 5 : i32
        %shift_right_arithmetic3A_318 = vector.broadcast %shift_right_arithmetic3A : i32 to vector<16xi32>
        %shift_right_arithmetic3A_319 = arith.shrsi %get3A_317, %shift_right_arithmetic3A_318 : vector<16xi32>
        %shift_right_arithmetic3A_320 = arith.constant 10 : i32
        %shift_right_arithmetic3A_321 = vector.broadcast %shift_right_arithmetic3A_320 : i32 to vector<16xi32>
        %shift_right_arithmetic3A_322 = arith.shrsi %shift_right_arithmetic3A_319, %shift_right_arithmetic3A_321 : vector<16xi32>
        %and3A_323 = arith.constant 1023 : i32
        %and3A_324 = vector.broadcast %and3A_323 : i32 to vector<16xi32>
        %and3A_325 = arith.andi %shift_right_arithmetic3A_319, %and3A_324 : vector<16xi32>
        %mul3A_326 = arith.constant 341 : i32
        %mul3A_327 = vector.broadcast %mul3A_326 : i32 to vector<16xi32>
        %mul3A_328 = arith.muli %shift_right_arithmetic3A_322, %mul3A_327 : vector<16xi32>
        %add3A_329 = arith.addi %shift_right_arithmetic3A_322, %and3A_325 : vector<16xi32>
        %mul3A_330 = arith.constant 683 : i32
        %mul3A_331 = vector.broadcast %mul3A_330 : i32 to vector<16xi32>
        %mul3A_332 = arith.muli %add3A_329, %mul3A_331 : vector<16xi32>
        %shift_right_arithmetic3A_333 = arith.constant 11 : i32
        %shift_right_arithmetic3A_334 = vector.broadcast %shift_right_arithmetic3A_333 : i32 to vector<16xi32>
        %shift_right_arithmetic3A_335 = arith.shrsi %mul3A_332, %shift_right_arithmetic3A_334 : vector<16xi32>
        %add3A_336 = arith.addi %mul3A_328, %shift_right_arithmetic3A_335 : vector<16xi32>
        %mul3A_337 = arith.constant 16 : i32
        %mul3A_338 = vector.broadcast %mul3A_337 : i32 to vector<16xi32>
        %mul3A_339 = arith.muli %add3A_336, %mul3A_338 : vector<16xi32>
        %add3A_340 = arith.addi %mul3A_339, %iota3A : vector<16xi32>
        %mul3A_341 = arith.constant 16 : i32
        %mul3A_342 = arith.muli %add3A_314, %mul3A_341 : i32
        %swap3A = arith.index_cast %mul3A_342 : i32 to index
        %swap3A_343 = tpu.vector_load %arg9[%swap3A] {strides = array<i32>} : memref<12544xi32, #tpu.memory_space<vmem>>, vector<16xi32>,
        %swap3A_344 = vector.shape_cast %swap3A_343 : vector<16xi32> to vector<16xi32>
        %swap3A_345 = vector.shape_cast %add3A_340 : vector<16xi32> to vector<16xi32>
        tpu.vector_store %arg9[%swap3A], %swap3A_345 {strides = array<i32>} : memref<12544xi32, #tpu.memory_space<vmem>>, vector<16xi32>,
        %get3A_346 = arith.index_cast %add3A_314 : i32 to index
        %get3A_347 = arith.constant 0 : index
        %get3A_348 = tpu.vector_load %arg7[%get3A_346, %get3A_347] {strides = array<i32>} : memref<784x16xf32, #tpu.memory_space<vmem>>, vector<1x16xf32>,
        %get3A_349 = vector.shape_cast %get3A_348 : vector<1x16xf32> to vector<16xf32>
        %mul3A_350 = arith.constant 16 : i32
        %mul3A_351 = arith.muli %add3A_314, %mul3A_350 : i32
        %swap3A_352 = arith.index_cast %mul3A_351 : i32 to index
        %swap3A_353 = tpu.vector_load %arg8[%swap3A_352] {strides = array<i32>} : memref<12544xf32, #tpu.memory_space<vmem>>, vector<16xf32>,
        %swap3A_354 = vector.shape_cast %swap3A_353 : vector<16xf32> to vector<16xf32>
        %swap3A_355 = vector.shape_cast %get3A_349 : vector<16xf32> to vector<16xf32>
        tpu.vector_store %arg8[%swap3A_352], %swap3A_355 {strides = array<i32>} : memref<12544xf32, #tpu.memory_space<vmem>>, vector<16xf32>,
        %mul3A_356 = arith.constant 8 : i32
        %mul3A_357 = arith.muli %scan3A_309, %mul3A_356 : i32
        %add3A_358 = arith.constant 1 : i32
        %add3A_359 = arith.addi %mul3A_357, %add3A_358 : i32
        %get3A_360 = arith.index_cast %add3A_359 : i32 to index
        %get3A_361 = arith.constant 0 : index
        %get3A_362 = tpu.vector_load %arg6[%get3A_360, %get3A_361] {strides = array<i32>} : memref<784x16xi32, #tpu.memory_space<vmem>>, vector<1x16xi32>,
        %get3A_363 = vector.shape_cast %get3A_362 : vector<1x16xi32> to vector<16xi32>
        %shift_right_arithmetic3A_364 = arith.constant 5 : i32
        %shift_right_arithmetic3A_365 = vector.broadcast %shift_right_arithmetic3A_364 : i32 to vector<16xi32>
        %shift_right_arithmetic3A_366 = arith.shrsi %get3A_363, %shift_right_arithmetic3A_365 : vector<16xi32>
        %shift_right_arithmetic3A_367 = arith.constant 10 : i32
        %shift_right_arithmetic3A_368 = vector.broadcast %shift_right_arithmetic3A_367 : i32 to vector<16xi32>
        %shift_right_arithmetic3A_369 = arith.shrsi %shift_right_arithmetic3A_366, %shift_right_arithmetic3A_368 : vector<16xi32>
        %and3A_370 = arith.constant 1023 : i32
        %and3A_371 = vector.broadcast %and3A_370 : i32 to vector<16xi32>
        %and3A_372 = arith.andi %shift_right_arithmetic3A_366, %and3A_371 : vector<16xi32>
        %mul3A_373 = arith.constant 341 : i32
        %mul3A_374 = vector.broadcast %mul3A_373 : i32 to vector<16xi32>
        %mul3A_375 = arith.muli %shift_right_arithmetic3A_369, %mul3A_374 : vector<16xi32>
        %add3A_376 = arith.addi %shift_right_arithmetic3A_369, %and3A_372 : vector<16xi32>
        %mul3A_377 = arith.constant 683 : i32
        %mul3A_378 = vector.broadcast %mul3A_377 : i32 to vector<16xi32>
        %mul3A_379 = arith.muli %add3A_376, %mul3A_378 : vector<16xi32>
        %shift_right_arithmetic3A_380 = arith.constant 11 : i32
        %shift_right_arithmetic3A_381 = vector.broadcast %shift_right_arithmetic3A_380 : i32 to vector<16xi32>
        %shift_right_arithmetic3A_382 = arith.shrsi %mul3A_379, %shift_right_arithmetic3A_381 : vector<16xi32>
        %add3A_383 = arith.addi %mul3A_375, %shift_right_arithmetic3A_382 : vector<16xi32>
        %mul3A_384 = arith.constant 16 : i32
        %mul3A_385 = vector.broadcast %mul3A_384 : i32 to vector<16xi32>
        %mul3A_386 = arith.muli %add3A_383, %mul3A_385 : vector<16xi32>
        %add3A_387 = arith.addi %mul3A_386, %iota3A : vector<16xi32>
        %mul3A_388 = arith.constant 16 : i32
        %mul3A_389 = arith.muli %add3A_359, %mul3A_388 : i32
        %swap3A_390 = arith.index_cast %mul3A_389 : i32 to index
        %swap3A_391 = tpu.vector_load %arg9[%swap3A_390] {strides = array<i32>} : memref<12544xi32, #tpu.memory_space<vmem>>, vector<16xi32>,
        %swap3A_392 = vector.shape_cast %swap3A_391 : vector<16xi32> to vector<16xi32>
        %swap3A_393 = vector.shape_cast %add3A_387 : vector<16xi32> to vector<16xi32>
        tpu.vector_store %arg9[%swap3A_390], %swap3A_393 {strides = array<i32>} : memref<12544xi32, #tpu.memory_space<vmem>>, vector<16xi32>,
        %get3A_394 = arith.index_cast %add3A_359 : i32 to index
        %get3A_395 = arith.constant 0 : index
        %get3A_396 = tpu.vector_load %arg7[%get3A_394, %get3A_395] {strides = array<i32>} : memref<784x16xf32, #tpu.memory_space<vmem>>, vector<1x16xf32>,
        %get3A_397 = vector.shape_cast %get3A_396 : vector<1x16xf32> to vector<16xf32>
        %mul3A_398 = arith.constant 16 : i32
        %mul3A_399 = arith.muli %add3A_359, %mul3A_398 : i32
        %swap3A_400 = arith.index_cast %mul3A_399 : i32 to index
        %swap3A_401 = tpu.vector_load %arg8[%swap3A_400] {strides = array<i32>} : memref<12544xf32, #tpu.memory_space<vmem>>, vector<16xf32>,
        %swap3A_402 = vector.shape_cast %swap3A_401 : vector<16xf32> to vector<16xf32>
        %swap3A_403 = vector.shape_cast %get3A_397 : vector<16xf32> to vector<16xf32>
        tpu.vector_store %arg8[%swap3A_400], %swap3A_403 {strides = array<i32>} : memref<12544xf32, #tpu.memory_space<vmem>>, vector<16xf32>,
        %mul3A_404 = arith.constant 8 : i32
        %mul3A_405 = arith.muli %scan3A_309, %mul3A_404 : i32
        %add3A_406 = arith.constant 2 : i32
        %add3A_407 = arith.addi %mul3A_405, %add3A_406 : i32
        %get3A_408 = arith.index_cast %add3A_407 : i32 to index
        %get3A_409 = arith.constant 0 : index
        %get3A_410 = tpu.vector_load %arg6[%get3A_408, %get3A_409] {strides = array<i32>} : memref<784x16xi32, #tpu.memory_space<vmem>>, vector<1x16xi32>,
        %get3A_411 = vector.shape_cast %get3A_410 : vector<1x16xi32> to vector<16xi32>
        %shift_right_arithmetic3A_412 = arith.constant 5 : i32
        %shift_right_arithmetic3A_413 = vector.broadcast %shift_right_arithmetic3A_412 : i32 to vector<16xi32>
        %shift_right_arithmetic3A_414 = arith.shrsi %get3A_411, %shift_right_arithmetic3A_413 : vector<16xi32>
        %shift_right_arithmetic3A_415 = arith.constant 10 : i32
        %shift_right_arithmetic3A_416 = vector.broadcast %shift_right_arithmetic3A_415 : i32 to vector<16xi32>
        %shift_right_arithmetic3A_417 = arith.shrsi %shift_right_arithmetic3A_414, %shift_right_arithmetic3A_416 : vector<16xi32>
        %and3A_418 = arith.constant 1023 : i32
        %and3A_419 = vector.broadcast %and3A_418 : i32 to vector<16xi32>
        %and3A_420 = arith.andi %shift_right_arithmetic3A_414, %and3A_419 : vector<16xi32>
        %mul3A_421 = arith.constant 341 : i32
        %mul3A_422 = vector.broadcast %mul3A_421 : i32 to vector<16xi32>
        %mul3A_423 = arith.muli %shift_right_arithmetic3A_417, %mul3A_422 : vector<16xi32>
        %add3A_424 = arith.addi %shift_right_arithmetic3A_417, %and3A_420 : vector<16xi32>
        %mul3A_425 = arith.constant 683 : i32
        %mul3A_426 = vector.broadcast %mul3A_425 : i32 to vector<16xi32>
        %mul3A_427 = arith.muli %add3A_424, %mul3A_426 : vector<16xi32>
        %shift_right_arithmetic3A_428 = arith.constant 11 : i32
        %shift_right_arithmetic3A_429 = vector.broadcast %shift_right_arithmetic3A_428 : i32 to vector<16xi32>
        %shift_right_arithmetic3A_430 = arith.shrsi %mul3A_427, %shift_right_arithmetic3A_429 : vector<16xi32>
        %add3A_431 = arith.addi %mul3A_423, %shift_right_arithmetic3A_430 : vector<16xi32>
        %mul3A_432 = arith.constant 16 : i32
        %mul3A_433 = vector.broadcast %mul3A_432 : i32 to vector<16xi32>
        %mul3A_434 = arith.muli %add3A_431, %mul3A_433 : vector<16xi32>
        %add3A_435 = arith.addi %mul3A_434, %iota3A : vector<16xi32>
        %mul3A_436 = arith.constant 16 : i32
        %mul3A_437 = arith.muli %add3A_407, %mul3A_436 : i32
        %swap3A_438 = arith.index_cast %mul3A_437 : i32 to index
        %swap3A_439 = tpu.vector_load %arg9[%swap3A_438] {strides = array<i32>} : memref<12544xi32, #tpu.memory_space<vmem>>, vector<16xi32>,
        %swap3A_440 = vector.shape_cast %swap3A_439 : vector<16xi32> to vector<16xi32>
        %swap3A_441 = vector.shape_cast %add3A_435 : vector<16xi32> to vector<16xi32>
        tpu.vector_store %arg9[%swap3A_438], %swap3A_441 {strides = array<i32>} : memref<12544xi32, #tpu.memory_space<vmem>>, vector<16xi32>,
        %get3A_442 = arith.index_cast %add3A_407 : i32 to index
        %get3A_443 = arith.constant 0 : index
        %get3A_444 = tpu.vector_load %arg7[%get3A_442, %get3A_443] {strides = array<i32>} : memref<784x16xf32, #tpu.memory_space<vmem>>, vector<1x16xf32>,
        %get3A_445 = vector.shape_cast %get3A_444 : vector<1x16xf32> to vector<16xf32>
        %mul3A_446 = arith.constant 16 : i32
        %mul3A_447 = arith.muli %add3A_407, %mul3A_446 : i32
        %swap3A_448 = arith.index_cast %mul3A_447 : i32 to index
        %swap3A_449 = tpu.vector_load %arg8[%swap3A_448] {strides = array<i32>} : memref<12544xf32, #tpu.memory_space<vmem>>, vector<16xf32>,
        %swap3A_450 = vector.shape_cast %swap3A_449 : vector<16xf32> to vector<16xf32>
        %swap3A_451 = vector.shape_cast %get3A_445 : vector<16xf32> to vector<16xf32>
        tpu.vector_store %arg8[%swap3A_448], %swap3A_451 {strides = array<i32>} : memref<12544xf32, #tpu.memory_space<vmem>>, vector<16xf32>,
        %mul3A_452 = arith.constant 8 : i32
        %mul3A_453 = arith.muli %scan3A_309, %mul3A_452 : i32
        %add3A_454 = arith.constant 3 : i32
        %add3A_455 = arith.addi %mul3A_453, %add3A_454 : i32
        %get3A_456 = arith.index_cast %add3A_455 : i32 to index
        %get3A_457 = arith.constant 0 : index
        %get3A_458 = tpu.vector_load %arg6[%get3A_456, %get3A_457] {strides = array<i32>} : memref<784x16xi32, #tpu.memory_space<vmem>>, vector<1x16xi32>,
        %get3A_459 = vector.shape_cast %get3A_458 : vector<1x16xi32> to vector<16xi32>
        %shift_right_arithmetic3A_460 = arith.constant 5 : i32
        %shift_right_arithmetic3A_461 = vector.broadcast %shift_right_arithmetic3A_460 : i32 to vector<16xi32>
        %shift_right_arithmetic3A_462 = arith.shrsi %get3A_459, %shift_right_arithmetic3A_461 : vector<16xi32>
        %shift_right_arithmetic3A_463 = arith.constant 10 : i32
        %shift_right_arithmetic3A_464 = vector.broadcast %shift_right_arithmetic3A_463 : i32 to vector<16xi32>
        %shift_right_arithmetic3A_465 = arith.shrsi %shift_right_arithmetic3A_462, %shift_right_arithmetic3A_464 : vector<16xi32>
        %and3A_466 = arith.constant 1023 : i32
        %and3A_467 = vector.broadcast %and3A_466 : i32 to vector<16xi32>
        %and3A_468 = arith.andi %shift_right_arithmetic3A_462, %and3A_467 : vector<16xi32>
        %mul3A_469 = arith.constant 341 : i32
        %mul3A_470 = vector.broadcast %mul3A_469 : i32 to vector<16xi32>
        %mul3A_471 = arith.muli %shift_right_arithmetic3A_465, %mul3A_470 : vector<16xi32>
        %add3A_472 = arith.addi %shift_right_arithmetic3A_465, %and3A_468 : vector<16xi32>
        %mul3A_473 = arith.constant 683 : i32
        %mul3A_474 = vector.broadcast %mul3A_473 : i32 to vector<16xi32>
        %mul3A_475 = arith.muli %add3A_472, %mul3A_474 : vector<16xi32>
        %shift_right_arithmetic3A_476 = arith.constant 11 : i32
        %shift_right_arithmetic3A_477 = vector.broadcast %shift_right_arithmetic3A_476 : i32 to vector<16xi32>
        %shift_right_arithmetic3A_478 = arith.shrsi %mul3A_475, %shift_right_arithmetic3A_477 : vector<16xi32>
        %add3A_479 = arith.addi %mul3A_471, %shift_right_arithmetic3A_478 : vector<16xi32>
        %mul3A_480 = arith.constant 16 : i32
        %mul3A_481 = vector.broadcast %mul3A_480 : i32 to vector<16xi32>
        %mul3A_482 = arith.muli %add3A_479, %mul3A_481 : vector<16xi32>
        %add3A_483 = arith.addi %mul3A_482, %iota3A : vector<16xi32>
        %mul3A_484 = arith.constant 16 : i32
        %mul3A_485 = arith.muli %add3A_455, %mul3A_484 : i32
        %swap3A_486 = arith.index_cast %mul3A_485 : i32 to index
        %swap3A_487 = tpu.vector_load %arg9[%swap3A_486] {strides = array<i32>} : memref<12544xi32, #tpu.memory_space<vmem>>, vector<16xi32>,
        %swap3A_488 = vector.shape_cast %swap3A_487 : vector<16xi32> to vector<16xi32>
        %swap3A_489 = vector.shape_cast %add3A_483 : vector<16xi32> to vector<16xi32>
        tpu.vector_store %arg9[%swap3A_486], %swap3A_489 {strides = array<i32>} : memref<12544xi32, #tpu.memory_space<vmem>>, vector<16xi32>,
        %get3A_490 = arith.index_cast %add3A_455 : i32 to index
        %get3A_491 = arith.constant 0 : index
        %get3A_492 = tpu.vector_load %arg7[%get3A_490, %get3A_491] {strides = array<i32>} : memref<784x16xf32, #tpu.memory_space<vmem>>, vector<1x16xf32>,
        %get3A_493 = vector.shape_cast %get3A_492 : vector<1x16xf32> to vector<16xf32>
        %mul3A_494 = arith.constant 16 : i32
        %mul3A_495 = arith.muli %add3A_455, %mul3A_494 : i32
        %swap3A_496 = arith.index_cast %mul3A_495 : i32 to index
        %swap3A_497 = tpu.vector_load %arg8[%swap3A_496] {strides = array<i32>} : memref<12544xf32, #tpu.memory_space<vmem>>, vector<16xf32>,
        %swap3A_498 = vector.shape_cast %swap3A_497 : vector<16xf32> to vector<16xf32>
        %swap3A_499 = vector.shape_cast %get3A_493 : vector<16xf32> to vector<16xf32>
        tpu.vector_store %arg8[%swap3A_496], %swap3A_499 {strides = array<i32>} : memref<12544xf32, #tpu.memory_space<vmem>>, vector<16xf32>,
        %mul3A_500 = arith.constant 8 : i32
        %mul3A_501 = arith.muli %scan3A_309, %mul3A_500 : i32
        %add3A_502 = arith.constant 4 : i32
        %add3A_503 = arith.addi %mul3A_501, %add3A_502 : i32
        %get3A_504 = arith.index_cast %add3A_503 : i32 to index
        %get3A_505 = arith.constant 0 : index
        %get3A_506 = tpu.vector_load %arg6[%get3A_504, %get3A_505] {strides = array<i32>} : memref<784x16xi32, #tpu.memory_space<vmem>>, vector<1x16xi32>,
        %get3A_507 = vector.shape_cast %get3A_506 : vector<1x16xi32> to vector<16xi32>
        %shift_right_arithmetic3A_508 = arith.constant 5 : i32
        %shift_right_arithmetic3A_509 = vector.broadcast %shift_right_arithmetic3A_508 : i32 to vector<16xi32>
        %shift_right_arithmetic3A_510 = arith.shrsi %get3A_507, %shift_right_arithmetic3A_509 : vector<16xi32>
        %shift_right_arithmetic3A_511 = arith.constant 10 : i32
        %shift_right_arithmetic3A_512 = vector.broadcast %shift_right_arithmetic3A_511 : i32 to vector<16xi32>
        %shift_right_arithmetic3A_513 = arith.shrsi %shift_right_arithmetic3A_510, %shift_right_arithmetic3A_512 : vector<16xi32>
        %and3A_514 = arith.constant 1023 : i32
        %and3A_515 = vector.broadcast %and3A_514 : i32 to vector<16xi32>
        %and3A_516 = arith.andi %shift_right_arithmetic3A_510, %and3A_515 : vector<16xi32>
        %mul3A_517 = arith.constant 341 : i32
        %mul3A_518 = vector.broadcast %mul3A_517 : i32 to vector<16xi32>
        %mul3A_519 = arith.muli %shift_right_arithmetic3A_513, %mul3A_518 : vector<16xi32>
        %add3A_520 = arith.addi %shift_right_arithmetic3A_513, %and3A_516 : vector<16xi32>
        %mul3A_521 = arith.constant 683 : i32
        %mul3A_522 = vector.broadcast %mul3A_521 : i32 to vector<16xi32>
        %mul3A_523 = arith.muli %add3A_520, %mul3A_522 : vector<16xi32>
        %shift_right_arithmetic3A_524 = arith.constant 11 : i32
        %shift_right_arithmetic3A_525 = vector.broadcast %shift_right_arithmetic3A_524 : i32 to vector<16xi32>
        %shift_right_arithmetic3A_526 = arith.shrsi %mul3A_523, %shift_right_arithmetic3A_525 : vector<16xi32>
        %add3A_527 = arith.addi %mul3A_519, %shift_right_arithmetic3A_526 : vector<16xi32>
        %mul3A_528 = arith.constant 16 : i32
        %mul3A_529 = vector.broadcast %mul3A_528 : i32 to vector<16xi32>
        %mul3A_530 = arith.muli %add3A_527, %mul3A_529 : vector<16xi32>
        %add3A_531 = arith.addi %mul3A_530, %iota3A : vector<16xi32>
        %mul3A_532 = arith.constant 16 : i32
        %mul3A_533 = arith.muli %add3A_503, %mul3A_532 : i32
        %swap3A_534 = arith.index_cast %mul3A_533 : i32 to index
        %swap3A_535 = tpu.vector_load %arg9[%swap3A_534] {strides = array<i32>} : memref<12544xi32, #tpu.memory_space<vmem>>, vector<16xi32>,
        %swap3A_536 = vector.shape_cast %swap3A_535 : vector<16xi32> to vector<16xi32>
        %swap3A_537 = vector.shape_cast %add3A_531 : vector<16xi32> to vector<16xi32>
        tpu.vector_store %arg9[%swap3A_534], %swap3A_537 {strides = array<i32>} : memref<12544xi32, #tpu.memory_space<vmem>>, vector<16xi32>,
        %get3A_538 = arith.index_cast %add3A_503 : i32 to index
        %get3A_539 = arith.constant 0 : index
        %get3A_540 = tpu.vector_load %arg7[%get3A_538, %get3A_539] {strides = array<i32>} : memref<784x16xf32, #tpu.memory_space<vmem>>, vector<1x16xf32>,
        %get3A_541 = vector.shape_cast %get3A_540 : vector<1x16xf32> to vector<16xf32>
        %mul3A_542 = arith.constant 16 : i32
        %mul3A_543 = arith.muli %add3A_503, %mul3A_542 : i32
        %swap3A_544 = arith.index_cast %mul3A_543 : i32 to index
        %swap3A_545 = tpu.vector_load %arg8[%swap3A_544] {strides = array<i32>} : memref<12544xf32, #tpu.memory_space<vmem>>, vector<16xf32>,
        %swap3A_546 = vector.shape_cast %swap3A_545 : vector<16xf32> to vector<16xf32>
        %swap3A_547 = vector.shape_cast %get3A_541 : vector<16xf32> to vector<16xf32>
        tpu.vector_store %arg8[%swap3A_544], %swap3A_547 {strides = array<i32>} : memref<12544xf32, #tpu.memory_space<vmem>>, vector<16xf32>,
        %mul3A_548 = arith.constant 8 : i32
        %mul3A_549 = arith.muli %scan3A_309, %mul3A_548 : i32
        %add3A_550 = arith.constant 5 : i32
        %add3A_551 = arith.addi %mul3A_549, %add3A_550 : i32
        %get3A_552 = arith.index_cast %add3A_551 : i32 to index
        %get3A_553 = arith.constant 0 : index
        %get3A_554 = tpu.vector_load %arg6[%get3A_552, %get3A_553] {strides = array<i32>} : memref<784x16xi32, #tpu.memory_space<vmem>>, vector<1x16xi32>,
        %get3A_555 = vector.shape_cast %get3A_554 : vector<1x16xi32> to vector<16xi32>
        %shift_right_arithmetic3A_556 = arith.constant 5 : i32
        %shift_right_arithmetic3A_557 = vector.broadcast %shift_right_arithmetic3A_556 : i32 to vector<16xi32>
        %shift_right_arithmetic3A_558 = arith.shrsi %get3A_555, %shift_right_arithmetic3A_557 : vector<16xi32>
        %shift_right_arithmetic3A_559 = arith.constant 10 : i32
        %shift_right_arithmetic3A_560 = vector.broadcast %shift_right_arithmetic3A_559 : i32 to vector<16xi32>
        %shift_right_arithmetic3A_561 = arith.shrsi %shift_right_arithmetic3A_558, %shift_right_arithmetic3A_560 : vector<16xi32>
        %and3A_562 = arith.constant 1023 : i32
        %and3A_563 = vector.broadcast %and3A_562 : i32 to vector<16xi32>
        %and3A_564 = arith.andi %shift_right_arithmetic3A_558, %and3A_563 : vector<16xi32>
        %mul3A_565 = arith.constant 341 : i32
        %mul3A_566 = vector.broadcast %mul3A_565 : i32 to vector<16xi32>
        %mul3A_567 = arith.muli %shift_right_arithmetic3A_561, %mul3A_566 : vector<16xi32>
        %add3A_568 = arith.addi %shift_right_arithmetic3A_561, %and3A_564 : vector<16xi32>
        %mul3A_569 = arith.constant 683 : i32
        %mul3A_570 = vector.broadcast %mul3A_569 : i32 to vector<16xi32>
        %mul3A_571 = arith.muli %add3A_568, %mul3A_570 : vector<16xi32>
        %shift_right_arithmetic3A_572 = arith.constant 11 : i32
        %shift_right_arithmetic3A_573 = vector.broadcast %shift_right_arithmetic3A_572 : i32 to vector<16xi32>
        %shift_right_arithmetic3A_574 = arith.shrsi %mul3A_571, %shift_right_arithmetic3A_573 : vector<16xi32>
        %add3A_575 = arith.addi %mul3A_567, %shift_right_arithmetic3A_574 : vector<16xi32>
        %mul3A_576 = arith.constant 16 : i32
        %mul3A_577 = vector.broadcast %mul3A_576 : i32 to vector<16xi32>
        %mul3A_578 = arith.muli %add3A_575, %mul3A_577 : vector<16xi32>
        %add3A_579 = arith.addi %mul3A_578, %iota3A : vector<16xi32>
        %mul3A_580 = arith.constant 16 : i32
        %mul3A_581 = arith.muli %add3A_551, %mul3A_580 : i32
        %swap3A_582 = arith.index_cast %mul3A_581 : i32 to index
        %swap3A_583 = tpu.vector_load %arg9[%swap3A_582] {strides = array<i32>} : memref<12544xi32, #tpu.memory_space<vmem>>, vector<16xi32>,
        %swap3A_584 = vector.shape_cast %swap3A_583 : vector<16xi32> to vector<16xi32>
        %swap3A_585 = vector.shape_cast %add3A_579 : vector<16xi32> to vector<16xi32>
        tpu.vector_store %arg9[%swap3A_582], %swap3A_585 {strides = array<i32>} : memref<12544xi32, #tpu.memory_space<vmem>>, vector<16xi32>,
        %get3A_586 = arith.index_cast %add3A_551 : i32 to index
        %get3A_587 = arith.constant 0 : index
        %get3A_588 = tpu.vector_load %arg7[%get3A_586, %get3A_587] {strides = array<i32>} : memref<784x16xf32, #tpu.memory_space<vmem>>, vector<1x16xf32>,
        %get3A_589 = vector.shape_cast %get3A_588 : vector<1x16xf32> to vector<16xf32>
        %mul3A_590 = arith.constant 16 : i32
        %mul3A_591 = arith.muli %add3A_551, %mul3A_590 : i32
        %swap3A_592 = arith.index_cast %mul3A_591 : i32 to index
        %swap3A_593 = tpu.vector_load %arg8[%swap3A_592] {strides = array<i32>} : memref<12544xf32, #tpu.memory_space<vmem>>, vector<16xf32>,
        %swap3A_594 = vector.shape_cast %swap3A_593 : vector<16xf32> to vector<16xf32>
        %swap3A_595 = vector.shape_cast %get3A_589 : vector<16xf32> to vector<16xf32>
        tpu.vector_store %arg8[%swap3A_592], %swap3A_595 {strides = array<i32>} : memref<12544xf32, #tpu.memory_space<vmem>>, vector<16xf32>,
        %mul3A_596 = arith.constant 8 : i32
        %mul3A_597 = arith.muli %scan3A_309, %mul3A_596 : i32
        %add3A_598 = arith.constant 6 : i32
        %add3A_599 = arith.addi %mul3A_597, %add3A_598 : i32
        %get3A_600 = arith.index_cast %add3A_599 : i32 to index
        %get3A_601 = arith.constant 0 : index
        %get3A_602 = tpu.vector_load %arg6[%get3A_600, %get3A_601] {strides = array<i32>} : memref<784x16xi32, #tpu.memory_space<vmem>>, vector<1x16xi32>,
        %get3A_603 = vector.shape_cast %get3A_602 : vector<1x16xi32> to vector<16xi32>
        %shift_right_arithmetic3A_604 = arith.constant 5 : i32
        %shift_right_arithmetic3A_605 = vector.broadcast %shift_right_arithmetic3A_604 : i32 to vector<16xi32>
        %shift_right_arithmetic3A_606 = arith.shrsi %get3A_603, %shift_right_arithmetic3A_605 : vector<16xi32>
        %shift_right_arithmetic3A_607 = arith.constant 10 : i32
        %shift_right_arithmetic3A_608 = vector.broadcast %shift_right_arithmetic3A_607 : i32 to vector<16xi32>
        %shift_right_arithmetic3A_609 = arith.shrsi %shift_right_arithmetic3A_606, %shift_right_arithmetic3A_608 : vector<16xi32>
        %and3A_610 = arith.constant 1023 : i32
        %and3A_611 = vector.broadcast %and3A_610 : i32 to vector<16xi32>
        %and3A_612 = arith.andi %shift_right_arithmetic3A_606, %and3A_611 : vector<16xi32>
        %mul3A_613 = arith.constant 341 : i32
        %mul3A_614 = vector.broadcast %mul3A_613 : i32 to vector<16xi32>
        %mul3A_615 = arith.muli %shift_right_arithmetic3A_609, %mul3A_614 : vector<16xi32>
        %add3A_616 = arith.addi %shift_right_arithmetic3A_609, %and3A_612 : vector<16xi32>
        %mul3A_617 = arith.constant 683 : i32
        %mul3A_618 = vector.broadcast %mul3A_617 : i32 to vector<16xi32>
        %mul3A_619 = arith.muli %add3A_616, %mul3A_618 : vector<16xi32>
        %shift_right_arithmetic3A_620 = arith.constant 11 : i32
        %shift_right_arithmetic3A_621 = vector.broadcast %shift_right_arithmetic3A_620 : i32 to vector<16xi32>
        %shift_right_arithmetic3A_622 = arith.shrsi %mul3A_619, %shift_right_arithmetic3A_621 : vector<16xi32>
        %add3A_623 = arith.addi %mul3A_615, %shift_right_arithmetic3A_622 : vector<16xi32>
        %mul3A_624 = arith.constant 16 : i32
        %mul3A_625 = vector.broadcast %mul3A_624 : i32 to vector<16xi32>
        %mul3A_626 = arith.muli %add3A_623, %mul3A_625 : vector<16xi32>
        %add3A_627 = arith.addi %mul3A_626, %iota3A : vector<16xi32>
        %mul3A_628 = arith.constant 16 : i32
        %mul3A_629 = arith.muli %add3A_599, %mul3A_628 : i32
        %swap3A_630 = arith.index_cast %mul3A_629 : i32 to index
        %swap3A_631 = tpu.vector_load %arg9[%swap3A_630] {strides = array<i32>} : memref<12544xi32, #tpu.memory_space<vmem>>, vector<16xi32>,
        %swap3A_632 = vector.shape_cast %swap3A_631 : vector<16xi32> to vector<16xi32>
        %swap3A_633 = vector.shape_cast %add3A_627 : vector<16xi32> to vector<16xi32>
        tpu.vector_store %arg9[%swap3A_630], %swap3A_633 {strides = array<i32>} : memref<12544xi32, #tpu.memory_space<vmem>>, vector<16xi32>,
        %get3A_634 = arith.index_cast %add3A_599 : i32 to index
        %get3A_635 = arith.constant 0 : index
        %get3A_636 = tpu.vector_load %arg7[%get3A_634, %get3A_635] {strides = array<i32>} : memref<784x16xf32, #tpu.memory_space<vmem>>, vector<1x16xf32>,
        %get3A_637 = vector.shape_cast %get3A_636 : vector<1x16xf32> to vector<16xf32>
        %mul3A_638 = arith.constant 16 : i32
        %mul3A_639 = arith.muli %add3A_599, %mul3A_638 : i32
        %swap3A_640 = arith.index_cast %mul3A_639 : i32 to index
        %swap3A_641 = tpu.vector_load %arg8[%swap3A_640] {strides = array<i32>} : memref<12544xf32, #tpu.memory_space<vmem>>, vector<16xf32>,
        %swap3A_642 = vector.shape_cast %swap3A_641 : vector<16xf32> to vector<16xf32>
        %swap3A_643 = vector.shape_cast %get3A_637 : vector<16xf32> to vector<16xf32>
        tpu.vector_store %arg8[%swap3A_640], %swap3A_643 {strides = array<i32>} : memref<12544xf32, #tpu.memory_space<vmem>>, vector<16xf32>,
        %mul3A_644 = arith.constant 8 : i32
        %mul3A_645 = arith.muli %scan3A_309, %mul3A_644 : i32
        %add3A_646 = arith.constant 7 : i32
        %add3A_647 = arith.addi %mul3A_645, %add3A_646 : i32
        %get3A_648 = arith.index_cast %add3A_647 : i32 to index
        %get3A_649 = arith.constant 0 : index
        %get3A_650 = tpu.vector_load %arg6[%get3A_648, %get3A_649] {strides = array<i32>} : memref<784x16xi32, #tpu.memory_space<vmem>>, vector<1x16xi32>,
        %get3A_651 = vector.shape_cast %get3A_650 : vector<1x16xi32> to vector<16xi32>
        %shift_right_arithmetic3A_652 = arith.constant 5 : i32
        %shift_right_arithmetic3A_653 = vector.broadcast %shift_right_arithmetic3A_652 : i32 to vector<16xi32>
        %shift_right_arithmetic3A_654 = arith.shrsi %get3A_651, %shift_right_arithmetic3A_653 : vector<16xi32>
        %shift_right_arithmetic3A_655 = arith.constant 10 : i32
        %shift_right_arithmetic3A_656 = vector.broadcast %shift_right_arithmetic3A_655 : i32 to vector<16xi32>
        %shift_right_arithmetic3A_657 = arith.shrsi %shift_right_arithmetic3A_654, %shift_right_arithmetic3A_656 : vector<16xi32>
        %and3A_658 = arith.constant 1023 : i32
        %and3A_659 = vector.broadcast %and3A_658 : i32 to vector<16xi32>
        %and3A_660 = arith.andi %shift_right_arithmetic3A_654, %and3A_659 : vector<16xi32>
        %mul3A_661 = arith.constant 341 : i32
        %mul3A_662 = vector.broadcast %mul3A_661 : i32 to vector<16xi32>
        %mul3A_663 = arith.muli %shift_right_arithmetic3A_657, %mul3A_662 : vector<16xi32>
        %add3A_664 = arith.addi %shift_right_arithmetic3A_657, %and3A_660 : vector<16xi32>
        %mul3A_665 = arith.constant 683 : i32
        %mul3A_666 = vector.broadcast %mul3A_665 : i32 to vector<16xi32>
        %mul3A_667 = arith.muli %add3A_664, %mul3A_666 : vector<16xi32>
        %shift_right_arithmetic3A_668 = arith.constant 11 : i32
        %shift_right_arithmetic3A_669 = vector.broadcast %shift_right_arithmetic3A_668 : i32 to vector<16xi32>
        %shift_right_arithmetic3A_670 = arith.shrsi %mul3A_667, %shift_right_arithmetic3A_669 : vector<16xi32>
        %add3A_671 = arith.addi %mul3A_663, %shift_right_arithmetic3A_670 : vector<16xi32>
        %mul3A_672 = arith.constant 16 : i32
        %mul3A_673 = vector.broadcast %mul3A_672 : i32 to vector<16xi32>
        %mul3A_674 = arith.muli %add3A_671, %mul3A_673 : vector<16xi32>
        %add3A_675 = arith.addi %mul3A_674, %iota3A : vector<16xi32>
        %mul3A_676 = arith.constant 16 : i32
        %mul3A_677 = arith.muli %add3A_647, %mul3A_676 : i32
        %swap3A_678 = arith.index_cast %mul3A_677 : i32 to index
        %swap3A_679 = tpu.vector_load %arg9[%swap3A_678] {strides = array<i32>} : memref<12544xi32, #tpu.memory_space<vmem>>, vector<16xi32>,
        %swap3A_680 = vector.shape_cast %swap3A_679 : vector<16xi32> to vector<16xi32>
        %swap3A_681 = vector.shape_cast %add3A_675 : vector<16xi32> to vector<16xi32>
        tpu.vector_store %arg9[%swap3A_678], %swap3A_681 {strides = array<i32>} : memref<12544xi32, #tpu.memory_space<vmem>>, vector<16xi32>,
        %get3A_682 = arith.index_cast %add3A_647 : i32 to index
        %get3A_683 = arith.constant 0 : index
        %get3A_684 = tpu.vector_load %arg7[%get3A_682, %get3A_683] {strides = array<i32>} : memref<784x16xf32, #tpu.memory_space<vmem>>, vector<1x16xf32>,
        %get3A_685 = vector.shape_cast %get3A_684 : vector<1x16xf32> to vector<16xf32>
        %mul3A_686 = arith.constant 16 : i32
        %mul3A_687 = arith.muli %add3A_647, %mul3A_686 : i32
        %swap3A_688 = arith.index_cast %mul3A_687 : i32 to index
        %swap3A_689 = tpu.vector_load %arg8[%swap3A_688] {strides = array<i32>} : memref<12544xf32, #tpu.memory_space<vmem>>, vector<16xf32>,
        %swap3A_690 = vector.shape_cast %swap3A_689 : vector<16xf32> to vector<16xf32>
        %swap3A_691 = vector.shape_cast %get3A_685 : vector<16xf32> to vector<16xf32>
        tpu.vector_store %arg8[%swap3A_688], %swap3A_691 {strides = array<i32>} : memref<12544xf32, #tpu.memory_space<vmem>>, vector<16xf32>,
        %scan3A_692 = arith.constant 0 : i32
        scf.yield %scan3A_692 : i32
      }
      %scan3A_185 = arith.constant 98 : i32
      %dma_wait3A_186 = tpu.memref_slice %arg5[%add3A_109] : memref<802816xf32, #tpu.memory_space<vmem_shared>> -> memref<3136xf32, #tpu.memory_space<vmem_shared>>
      %dma_wait3A_187 = tpu.memref_slice %arg5[%add3A_109] : memref<802816xf32, #tpu.memory_space<vmem_shared>> -> memref<3136xf32, #tpu.memory_space<vmem_shared>>
      tpu.wait_dma2 semaphore(%arg13 : memref<!tpu.dma_semaphore, #tpu.memory_space<semaphore_mem>>) src(%arg10 : memref<3136xf32, #tpu.memory_space<vmem>>) dst(%dma_wait3A_187 : memref<3136xf32, #tpu.memory_space<vmem_shared>>)
      %dma_wait3A_188 = tpu.memref_slice %arg5[%add3A_111] : memref<802816xf32, #tpu.memory_space<vmem_shared>> -> memref<3136xf32, #tpu.memory_space<vmem_shared>>
      %dma_wait3A_189 = tpu.memref_slice %arg5[%add3A_111] : memref<802816xf32, #tpu.memory_space<vmem_shared>> -> memref<3136xf32, #tpu.memory_space<vmem_shared>>
      tpu.wait_dma2 semaphore(%arg13 : memref<!tpu.dma_semaphore, #tpu.memory_space<semaphore_mem>>) src(%arg10 : memref<3136xf32, #tpu.memory_space<vmem>>) dst(%dma_wait3A_189 : memref<3136xf32, #tpu.memory_space<vmem_shared>>)
      %dma_wait3A_190 = tpu.memref_slice %arg5[%add3A_113] : memref<802816xf32, #tpu.memory_space<vmem_shared>> -> memref<3136xf32, #tpu.memory_space<vmem_shared>>
      %dma_wait3A_191 = tpu.memref_slice %arg5[%add3A_113] : memref<802816xf32, #tpu.memory_space<vmem_shared>> -> memref<3136xf32, #tpu.memory_space<vmem_shared>>
      tpu.wait_dma2 semaphore(%arg13 : memref<!tpu.dma_semaphore, #tpu.memory_space<semaphore_mem>>) src(%arg10 : memref<3136xf32, #tpu.memory_space<vmem>>) dst(%dma_wait3A_191 : memref<3136xf32, #tpu.memory_space<vmem_shared>>)
      %dma_wait3A_192 = tpu.memref_slice %arg5[%add3A_115] : memref<802816xf32, #tpu.memory_space<vmem_shared>> -> memref<3136xf32, #tpu.memory_space<vmem_shared>>
      %dma_wait3A_193 = tpu.memref_slice %arg5[%add3A_115] : memref<802816xf32, #tpu.memory_space<vmem_shared>> -> memref<3136xf32, #tpu.memory_space<vmem_shared>>
      tpu.wait_dma2 semaphore(%arg13 : memref<!tpu.dma_semaphore, #tpu.memory_space<semaphore_mem>>) src(%arg10 : memref<3136xf32, #tpu.memory_space<vmem>>) dst(%dma_wait3A_193 : memref<3136xf32, #tpu.memory_space<vmem_shared>>)
      %dma_wait3A_194 = tpu.memref_slice %arg5[%add3A_117] : memref<802816xf32, #tpu.memory_space<vmem_shared>> -> memref<3136xf32, #tpu.memory_space<vmem_shared>>
      %dma_wait3A_195 = tpu.memref_slice %arg5[%add3A_117] : memref<802816xf32, #tpu.memory_space<vmem_shared>> -> memref<3136xf32, #tpu.memory_space<vmem_shared>>
      tpu.wait_dma2 semaphore(%arg13 : memref<!tpu.dma_semaphore, #tpu.memory_space<semaphore_mem>>) src(%arg10 : memref<3136xf32, #tpu.memory_space<vmem>>) dst(%dma_wait3A_195 : memref<3136xf32, #tpu.memory_space<vmem_shared>>)
      %dma_wait3A_196 = tpu.memref_slice %arg5[%add3A_119] : memref<802816xf32, #tpu.memory_space<vmem_shared>> -> memref<3136xf32, #tpu.memory_space<vmem_shared>>
      %dma_wait3A_197 = tpu.memref_slice %arg5[%add3A_119] : memref<802816xf32, #tpu.memory_space<vmem_shared>> -> memref<3136xf32, #tpu.memory_space<vmem_shared>>
      tpu.wait_dma2 semaphore(%arg13 : memref<!tpu.dma_semaphore, #tpu.memory_space<semaphore_mem>>) src(%arg10 : memref<3136xf32, #tpu.memory_space<vmem>>) dst(%dma_wait3A_197 : memref<3136xf32, #tpu.memory_space<vmem_shared>>)
      %dma_wait3A_198 = tpu.memref_slice %arg5[%add3A_121] : memref<802816xf32, #tpu.memory_space<vmem_shared>> -> memref<3136xf32, #tpu.memory_space<vmem_shared>>
      %dma_wait3A_199 = tpu.memref_slice %arg5[%add3A_121] : memref<802816xf32, #tpu.memory_space<vmem_shared>> -> memref<3136xf32, #tpu.memory_space<vmem_shared>>
      tpu.wait_dma2 semaphore(%arg13 : memref<!tpu.dma_semaphore, #tpu.memory_space<semaphore_mem>>) src(%arg10 : memref<3136xf32, #tpu.memory_space<vmem>>) dst(%dma_wait3A_199 : memref<3136xf32, #tpu.memory_space<vmem_shared>>)
      %dma_wait3A_200 = tpu.memref_slice %arg5[%add3A_123] : memref<802816xf32, #tpu.memory_space<vmem_shared>> -> memref<3136xf32, #tpu.memory_space<vmem_shared>>
      %dma_wait3A_201 = tpu.memref_slice %arg5[%add3A_123] : memref<802816xf32, #tpu.memory_space<vmem_shared>> -> memref<3136xf32, #tpu.memory_space<vmem_shared>>
      tpu.wait_dma2 semaphore(%arg13 : memref<!tpu.dma_semaphore, #tpu.memory_space<semaphore_mem>>) src(%arg10 : memref<3136xf32, #tpu.memory_space<vmem>>) dst(%dma_wait3A_201 : memref<3136xf32, #tpu.memory_space<vmem_shared>>)
      %dma_wait3A_202 = tpu.memref_slice %arg5[%add3A_125] : memref<802816xf32, #tpu.memory_space<vmem_shared>> -> memref<3136xf32, #tpu.memory_space<vmem_shared>>
      %dma_wait3A_203 = tpu.memref_slice %arg5[%add3A_125] : memref<802816xf32, #tpu.memory_space<vmem_shared>> -> memref<3136xf32, #tpu.memory_space<vmem_shared>>
      tpu.wait_dma2 semaphore(%arg13 : memref<!tpu.dma_semaphore, #tpu.memory_space<semaphore_mem>>) src(%arg10 : memref<3136xf32, #tpu.memory_space<vmem>>) dst(%dma_wait3A_203 : memref<3136xf32, #tpu.memory_space<vmem_shared>>)
      %dma_wait3A_204 = tpu.memref_slice %arg5[%add3A_127] : memref<802816xf32, #tpu.memory_space<vmem_shared>> -> memref<3136xf32, #tpu.memory_space<vmem_shared>>
      %dma_wait3A_205 = tpu.memref_slice %arg5[%add3A_127] : memref<802816xf32, #tpu.memory_space<vmem_shared>> -> memref<3136xf32, #tpu.memory_space<vmem_shared>>
      tpu.wait_dma2 semaphore(%arg13 : memref<!tpu.dma_semaphore, #tpu.memory_space<semaphore_mem>>) src(%arg10 : memref<3136xf32, #tpu.memory_space<vmem>>) dst(%dma_wait3A_205 : memref<3136xf32, #tpu.memory_space<vmem_shared>>)
      %dma_wait3A_206 = tpu.memref_slice %arg5[%add3A_129] : memref<802816xf32, #tpu.memory_space<vmem_shared>> -> memref<3136xf32, #tpu.memory_space<vmem_shared>>
      %dma_wait3A_207 = tpu.memref_slice %arg5[%add3A_129] : memref<802816xf32, #tpu.memory_space<vmem_shared>> -> memref<3136xf32, #tpu.memory_space<vmem_shared>>
      tpu.wait_dma2 semaphore(%arg13 : memref<!tpu.dma_semaphore, #tpu.memory_space<semaphore_mem>>) src(%arg10 : memref<3136xf32, #tpu.memory_space<vmem>>) dst(%dma_wait3A_207 : memref<3136xf32, #tpu.memory_space<vmem_shared>>)
      %dma_wait3A_208 = tpu.memref_slice %arg5[%add3A_131] : memref<802816xf32, #tpu.memory_space<vmem_shared>> -> memref<3136xf32, #tpu.memory_space<vmem_shared>>
      %dma_wait3A_209 = tpu.memref_slice %arg5[%add3A_131] : memref<802816xf32, #tpu.memory_space<vmem_shared>> -> memref<3136xf32, #tpu.memory_space<vmem_shared>>
      tpu.wait_dma2 semaphore(%arg13 : memref<!tpu.dma_semaphore, #tpu.memory_space<semaphore_mem>>) src(%arg10 : memref<3136xf32, #tpu.memory_space<vmem>>) dst(%dma_wait3A_209 : memref<3136xf32, #tpu.memory_space<vmem_shared>>)
      %dma_wait3A_210 = tpu.memref_slice %arg5[%add3A_133] : memref<802816xf32, #tpu.memory_space<vmem_shared>> -> memref<3136xf32, #tpu.memory_space<vmem_shared>>
      %dma_wait3A_211 = tpu.memref_slice %arg5[%add3A_133] : memref<802816xf32, #tpu.memory_space<vmem_shared>> -> memref<3136xf32, #tpu.memory_space<vmem_shared>>
      tpu.wait_dma2 semaphore(%arg13 : memref<!tpu.dma_semaphore, #tpu.memory_space<semaphore_mem>>) src(%arg10 : memref<3136xf32, #tpu.memory_space<vmem>>) dst(%dma_wait3A_211 : memref<3136xf32, #tpu.memory_space<vmem_shared>>)
      %dma_wait3A_212 = tpu.memref_slice %arg5[%add3A_135] : memref<802816xf32, #tpu.memory_space<vmem_shared>> -> memref<3136xf32, #tpu.memory_space<vmem_shared>>
      %dma_wait3A_213 = tpu.memref_slice %arg5[%add3A_135] : memref<802816xf32, #tpu.memory_space<vmem_shared>> -> memref<3136xf32, #tpu.memory_space<vmem_shared>>
      tpu.wait_dma2 semaphore(%arg13 : memref<!tpu.dma_semaphore, #tpu.memory_space<semaphore_mem>>) src(%arg10 : memref<3136xf32, #tpu.memory_space<vmem>>) dst(%dma_wait3A_213 : memref<3136xf32, #tpu.memory_space<vmem_shared>>)
      %dma_wait3A_214 = tpu.memref_slice %arg5[%add3A_137] : memref<802816xf32, #tpu.memory_space<vmem_shared>> -> memref<3136xf32, #tpu.memory_space<vmem_shared>>
      %dma_wait3A_215 = tpu.memref_slice %arg5[%add3A_137] : memref<802816xf32, #tpu.memory_space<vmem_shared>> -> memref<3136xf32, #tpu.memory_space<vmem_shared>>
      tpu.wait_dma2 semaphore(%arg13 : memref<!tpu.dma_semaphore, #tpu.memory_space<semaphore_mem>>) src(%arg10 : memref<3136xf32, #tpu.memory_space<vmem>>) dst(%dma_wait3A_215 : memref<3136xf32, #tpu.memory_space<vmem_shared>>)
      %dma_wait3A_216 = tpu.memref_slice %arg5[%add3A_139] : memref<802816xf32, #tpu.memory_space<vmem_shared>> -> memref<3136xf32, #tpu.memory_space<vmem_shared>>
      %dma_wait3A_217 = tpu.memref_slice %arg5[%add3A_139] : memref<802816xf32, #tpu.memory_space<vmem_shared>> -> memref<3136xf32, #tpu.memory_space<vmem_shared>>
      tpu.wait_dma2 semaphore(%arg13 : memref<!tpu.dma_semaphore, #tpu.memory_space<semaphore_mem>>) src(%arg10 : memref<3136xf32, #tpu.memory_space<vmem>>) dst(%dma_wait3A_217 : memref<3136xf32, #tpu.memory_space<vmem_shared>>)
      %barrier3A = arith.constant 0 : index
      tpu.barrier barrier_id(%barrier3A)
      "tpu.region"() ({
        %run_scoped3A = tpu.sem_alloc : memref<!tpu.dma_semaphore, #tpu.memory_space<semaphore_mem>>
        %dma_start3A_309 = arith.constant 0 : i32
        %dma_start3A_310 = tpu.memref_slice %arg5[%dma_start3A_309] : memref<802816xf32, #tpu.memory_space<vmem_shared>> -> memref<802816xf32, #tpu.memory_space<vmem_shared>>
        tpu.enqueue_indirect_dma source(%arg8 : memref<12544xf32, #tpu.memory_space<vmem>>) target(%dma_start3A_310 : memref<802816xf32, #tpu.memory_space<vmem_shared>>) offsets(%arg9 : memref<12544xi32, #tpu.memory_space<vmem>>) semaphore(%run_scoped3A : memref<!tpu.dma_semaphore, #tpu.memory_space<semaphore_mem>>) {add = true}
        %dma_wait3A_311 = arith.constant 0 : i32
        %dma_wait3A_312 = tpu.memref_slice %arg5[%dma_wait3A_311] : memref<802816xf32, #tpu.memory_space<vmem_shared>> -> memref<802816xf32, #tpu.memory_space<vmem_shared>>
        tpu.wait_indirect_dma semaphore(%run_scoped3A : memref<!tpu.dma_semaphore, #tpu.memory_space<semaphore_mem>>) src(%arg8 : memref<12544xf32, #tpu.memory_space<vmem>>) dst(%dma_wait3A_312 : memref<802816xf32, #tpu.memory_space<vmem_shared>>)
        tpu.yield
      }) : () -> ()
      %barrier3A_218 = arith.constant 0 : index
      tpu.barrier barrier_id(%barrier3A_218)
      %add3A_219 = arith.constant 1 : i32
      %add3A_220 = arith.addi %scan3A_57, %add3A_219 : i32
      %lt3A_221 = arith.constant 24 : i32
      %lt3A_222 = arith.cmpi slt, %add3A_220, %lt3A_221 : i32
      %convert_element_type3A = arith.extui %lt3A_222 : i1 to i32
      %cond3A = arith.constant 0 : i32
      %cond3A_223 = arith.cmpi ne, %convert_element_type3A, %cond3A : i32
      scf.if %cond3A_223 {
        %add3A_309 = arith.constant 1 : i32
        %add3A_310 = arith.addi %scan3A_57, %add3A_309 : i32
        %mul3A_311 = arith.constant 24 : i32
        %mul3A_312 = arith.muli %arg0, %mul3A_311 : i32
        %add3A_313 = arith.addi %mul3A_312, %add3A_310 : i32
        %jit3A_314 = arith.constant 6 : i32
        %div3A_315 = arith.divsi %add3A_313, %jit3A_314 : i32
        %sign3A_316 = arith.constant 0 : i32
        %sign3A_317 = arith.cmpi sgt, %add3A_313, %sign3A_316 : i32
        %sign3A_318 = arith.extui %sign3A_317 : i1 to i32
        %sign3A_319 = arith.constant 0 : i32
        %sign3A_320 = arith.cmpi slt, %add3A_313, %sign3A_319 : i32
        %sign3A_321 = arith.extui %sign3A_320 : i1 to i32
        %sign3A_322 = arith.subi %sign3A_318, %sign3A_321 : i32
        %sign3A_323 = arith.constant 0 : i32
        %sign3A_324 = arith.cmpi sgt, %jit3A_314, %sign3A_323 : i32
        %sign3A_325 = arith.extui %sign3A_324 : i1 to i32
        %sign3A_326 = arith.constant 0 : i32
        %sign3A_327 = arith.cmpi slt, %jit3A_314, %sign3A_326 : i32
        %sign3A_328 = arith.extui %sign3A_327 : i1 to i32
        %sign3A_329 = arith.subi %sign3A_325, %sign3A_328 : i32
        %ne3A_330 = arith.cmpi ne, %sign3A_322, %sign3A_329 : i32
        %rem3A_331 = arith.remsi %add3A_313, %jit3A_314 : i32
        %ne3A_332 = arith.constant 0 : i32
        %ne3A_333 = arith.cmpi ne, %rem3A_331, %ne3A_332 : i32
        %and3A_334 = arith.andi %ne3A_330, %ne3A_333 : i1
        %sub3A_335 = arith.constant 1 : i32
        %sub3A_336 = arith.subi %div3A_315, %sub3A_335 : i32
        %select_n3A_337 = arith.select %and3A_334, %sub3A_336, %div3A_315 : i32
        %jit3A_338 = arith.constant 6 : i32
        %eq3A_339 = arith.constant 0 : i32
        %eq3A_340 = arith.cmpi eq, %jit3A_338, %eq3A_339 : i32
        %jit3A_341 = arith.constant 1 : i32
        %select_n3A_342 = arith.select %eq3A_340, %jit3A_341, %jit3A_338 : i32
        %rem3A_343 = arith.remsi %add3A_313, %select_n3A_342 : i32
        %ne3A_344 = arith.constant 0 : i32
        %ne3A_345 = arith.cmpi ne, %rem3A_343, %ne3A_344 : i32
        %lt3A_346 = arith.constant 0 : i32
        %lt3A_347 = arith.cmpi slt, %rem3A_343, %lt3A_346 : i32
        %lt3A_348 = arith.constant 0 : i32
        %lt3A_349 = arith.cmpi slt, %select_n3A_342, %lt3A_348 : i32
        %ne3A_350 = arith.xori %lt3A_347, %lt3A_349 : i1
        %and3A_351 = arith.andi %ne3A_350, %ne3A_345 : i1
        %add3A_352 = arith.addi %rem3A_343, %select_n3A_342 : i32
        %select_n3A_353 = arith.select %and3A_351, %add3A_352, %rem3A_343 : i32
        %mul3A_354 = arith.constant 16 : i32
        %mul3A_355 = arith.muli %select_n3A_353, %mul3A_354 : i32
        %dma_start3A_356 = tpu.memref_slice %arg3[%select_n3A_337, %mul3A_7, %mul3A_355] : memref<8x12544x96xi32, #tpu.memory_space<hbm>> -> memref<1x784x16xi32, #tpu.memory_space<hbm>>
        %dma_start3A_357 = tpu.memref_squeeze %dma_start3A_356 : memref<1x784x16xi32, #tpu.memory_space<hbm>> -> memref<784x16xi32, #tpu.memory_space<hbm>>
        %dma_start3A_358 = tpu.memref_slice %arg3[%select_n3A_337, %mul3A_7, %mul3A_355] : memref<8x12544x96xi32, #tpu.memory_space<hbm>> -> memref<1x784x16xi32, #tpu.memory_space<hbm>>
        %dma_start3A_359 = tpu.memref_squeeze %dma_start3A_358 : memref<1x784x16xi32, #tpu.memory_space<hbm>> -> memref<784x16xi32, #tpu.memory_space<hbm>>
        tpu.enqueue_dma source(%dma_start3A_359 : memref<784x16xi32, #tpu.memory_space<hbm>>) target(%arg6 : memref<784x16xi32, #tpu.memory_space<vmem>>) target_semaphore(%arg14 : memref<!tpu.dma_semaphore, #tpu.memory_space<semaphore_mem>>)
        %dma_start3A_360 = tpu.memref_slice %arg2[%select_n3A_337, %mul3A_7, %mul3A_355] : memref<8x12544x96xf32, #tpu.memory_space<hbm>> -> memref<1x784x16xf32, #tpu.memory_space<hbm>>
        %dma_start3A_361 = tpu.memref_squeeze %dma_start3A_360 : memref<1x784x16xf32, #tpu.memory_space<hbm>> -> memref<784x16xf32, #tpu.memory_space<hbm>>
        %dma_start3A_362 = tpu.memref_slice %arg2[%select_n3A_337, %mul3A_7, %mul3A_355] : memref<8x12544x96xf32, #tpu.memory_space<hbm>> -> memref<1x784x16xf32, #tpu.memory_space<hbm>>
        %dma_start3A_363 = tpu.memref_squeeze %dma_start3A_362 : memref<1x784x16xf32, #tpu.memory_space<hbm>> -> memref<784x16xf32, #tpu.memory_space<hbm>>
        tpu.enqueue_dma source(%dma_start3A_363 : memref<784x16xf32, #tpu.memory_space<hbm>>) target(%arg7 : memref<784x16xf32, #tpu.memory_space<vmem>>) target_semaphore(%arg14 : memref<!tpu.dma_semaphore, #tpu.memory_space<semaphore_mem>>)
      } else {
      }
      %add3A_224 = arith.constant 0 : i32
      %add3A_225 = arith.addi %mul3A_107, %add3A_224 : i32
      "tpu.region"() ({
        %run_scoped3A = tpu.sem_alloc : memref<!tpu.dma_semaphore, #tpu.memory_space<semaphore_mem>>
        %dma_start3A_309 = tpu.memref_slice %arg5[%add3A_225] : memref<802816xf32, #tpu.memory_space<vmem_shared>> -> memref<12544xf32, #tpu.memory_space<vmem_shared>>
        %dma_start3A_310 = tpu.memref_slice %arg5[%add3A_225] : memref<802816xf32, #tpu.memory_space<vmem_shared>> -> memref<12544xf32, #tpu.memory_space<vmem_shared>>
        tpu.enqueue_dma source(%dma_start3A_310 : memref<12544xf32, #tpu.memory_space<vmem_shared>>) target(%arg11 : memref<12544xf32, #tpu.memory_space<vmem>>) target_semaphore(%run_scoped3A : memref<!tpu.dma_semaphore, #tpu.memory_space<semaphore_mem>>)
        %dma_wait3A_311 = tpu.memref_slice %arg5[%add3A_225] : memref<802816xf32, #tpu.memory_space<vmem_shared>> -> memref<12544xf32, #tpu.memory_space<vmem_shared>>
        %dma_wait3A_312 = tpu.memref_slice %arg5[%add3A_225] : memref<802816xf32, #tpu.memory_space<vmem_shared>> -> memref<12544xf32, #tpu.memory_space<vmem_shared>>
        tpu.wait_dma2 semaphore(%run_scoped3A : memref<!tpu.dma_semaphore, #tpu.memory_space<semaphore_mem>>) src(%dma_wait3A_312 : memref<12544xf32, #tpu.memory_space<vmem_shared>>) dst(%arg11 : memref<12544xf32, #tpu.memory_space<vmem>>)
        tpu.yield
      }) : () -> ()
      %scan3A_226 = arith.constant 0 : i32
      %scan3A_227 = arith.constant 0 : i32
      %scan3A_228 = arith.constant 98 : i32
      %scan3A_229 = arith.addi %scan3A_227, %scan3A_228 : i32
      %scan3A_230 = arith.constant 1 : i32
      %scan3A_231 = scf.for %scan3A_309 = %scan3A_227 to %scan3A_229 step %scan3A_230 iter_args(%scan3A_310 = %scan3A_226) -> (i32)  : i32 {
        %mul3A_311 = arith.constant 8 : i32
        %mul3A_312 = arith.muli %scan3A_309, %mul3A_311 : i32
        %add3A_313 = arith.constant 0 : i32
        %add3A_314 = arith.addi %mul3A_312, %add3A_313 : i32
        %mul3A_315 = arith.constant 16 : i32
        %mul3A_316 = arith.muli %add3A_314, %mul3A_315 : i32
        %get3A = arith.index_cast %mul3A_316 : i32 to index
        %get3A_317 = tpu.vector_load %arg11[%get3A] {strides = array<i32>} : memref<12544xf32, #tpu.memory_space<vmem>>, vector<16xf32>,
        %get3A_318 = vector.shape_cast %get3A_317 : vector<16xf32> to vector<16xf32>
        %swap3A = arith.index_cast %add3A_314 : i32 to index
        %swap3A_319 = arith.constant 0 : index
        %swap3A_320 = tpu.vector_load %arg12[%swap3A, %swap3A_319] {strides = array<i32>} : memref<784x16xf32, #tpu.memory_space<vmem>>, vector<1x16xf32>,
        %swap3A_321 = vector.shape_cast %swap3A_320 : vector<1x16xf32> to vector<16xf32>
        %swap3A_322 = vector.shape_cast %get3A_318 : vector<16xf32> to vector<1x16xf32>
        tpu.vector_store %arg12[%swap3A, %swap3A_319], %swap3A_322 {strides = array<i32>} : memref<784x16xf32, #tpu.memory_space<vmem>>, vector<1x16xf32>,
        %mul3A_323 = arith.constant 8 : i32
        %mul3A_324 = arith.muli %scan3A_309, %mul3A_323 : i32
        %add3A_325 = arith.constant 1 : i32
        %add3A_326 = arith.addi %mul3A_324, %add3A_325 : i32
        %mul3A_327 = arith.constant 16 : i32
        %mul3A_328 = arith.muli %add3A_326, %mul3A_327 : i32
        %get3A_329 = arith.index_cast %mul3A_328 : i32 to index
        %get3A_330 = tpu.vector_load %arg11[%get3A_329] {strides = array<i32>} : memref<12544xf32, #tpu.memory_space<vmem>>, vector<16xf32>,
        %get3A_331 = vector.shape_cast %get3A_330 : vector<16xf32> to vector<16xf32>
        %swap3A_332 = arith.index_cast %add3A_326 : i32 to index
        %swap3A_333 = arith.constant 0 : index
        %swap3A_334 = tpu.vector_load %arg12[%swap3A_332, %swap3A_333] {strides = array<i32>} : memref<784x16xf32, #tpu.memory_space<vmem>>, vector<1x16xf32>,
        %swap3A_335 = vector.shape_cast %swap3A_334 : vector<1x16xf32> to vector<16xf32>
        %swap3A_336 = vector.shape_cast %get3A_331 : vector<16xf32> to vector<1x16xf32>
        tpu.vector_store %arg12[%swap3A_332, %swap3A_333], %swap3A_336 {strides = array<i32>} : memref<784x16xf32, #tpu.memory_space<vmem>>, vector<1x16xf32>,
        %mul3A_337 = arith.constant 8 : i32
        %mul3A_338 = arith.muli %scan3A_309, %mul3A_337 : i32
        %add3A_339 = arith.constant 2 : i32
        %add3A_340 = arith.addi %mul3A_338, %add3A_339 : i32
        %mul3A_341 = arith.constant 16 : i32
        %mul3A_342 = arith.muli %add3A_340, %mul3A_341 : i32
        %get3A_343 = arith.index_cast %mul3A_342 : i32 to index
        %get3A_344 = tpu.vector_load %arg11[%get3A_343] {strides = array<i32>} : memref<12544xf32, #tpu.memory_space<vmem>>, vector<16xf32>,
        %get3A_345 = vector.shape_cast %get3A_344 : vector<16xf32> to vector<16xf32>
        %swap3A_346 = arith.index_cast %add3A_340 : i32 to index
        %swap3A_347 = arith.constant 0 : index
        %swap3A_348 = tpu.vector_load %arg12[%swap3A_346, %swap3A_347] {strides = array<i32>} : memref<784x16xf32, #tpu.memory_space<vmem>>, vector<1x16xf32>,
        %swap3A_349 = vector.shape_cast %swap3A_348 : vector<1x16xf32> to vector<16xf32>
        %swap3A_350 = vector.shape_cast %get3A_345 : vector<16xf32> to vector<1x16xf32>
        tpu.vector_store %arg12[%swap3A_346, %swap3A_347], %swap3A_350 {strides = array<i32>} : memref<784x16xf32, #tpu.memory_space<vmem>>, vector<1x16xf32>,
        %mul3A_351 = arith.constant 8 : i32
        %mul3A_352 = arith.muli %scan3A_309, %mul3A_351 : i32
        %add3A_353 = arith.constant 3 : i32
        %add3A_354 = arith.addi %mul3A_352, %add3A_353 : i32
        %mul3A_355 = arith.constant 16 : i32
        %mul3A_356 = arith.muli %add3A_354, %mul3A_355 : i32
        %get3A_357 = arith.index_cast %mul3A_356 : i32 to index
        %get3A_358 = tpu.vector_load %arg11[%get3A_357] {strides = array<i32>} : memref<12544xf32, #tpu.memory_space<vmem>>, vector<16xf32>,
        %get3A_359 = vector.shape_cast %get3A_358 : vector<16xf32> to vector<16xf32>
        %swap3A_360 = arith.index_cast %add3A_354 : i32 to index
        %swap3A_361 = arith.constant 0 : index
        %swap3A_362 = tpu.vector_load %arg12[%swap3A_360, %swap3A_361] {strides = array<i32>} : memref<784x16xf32, #tpu.memory_space<vmem>>, vector<1x16xf32>,
        %swap3A_363 = vector.shape_cast %swap3A_362 : vector<1x16xf32> to vector<16xf32>
        %swap3A_364 = vector.shape_cast %get3A_359 : vector<16xf32> to vector<1x16xf32>
        tpu.vector_store %arg12[%swap3A_360, %swap3A_361], %swap3A_364 {strides = array<i32>} : memref<784x16xf32, #tpu.memory_space<vmem>>, vector<1x16xf32>,
        %mul3A_365 = arith.constant 8 : i32
        %mul3A_366 = arith.muli %scan3A_309, %mul3A_365 : i32
        %add3A_367 = arith.constant 4 : i32
        %add3A_368 = arith.addi %mul3A_366, %add3A_367 : i32
        %mul3A_369 = arith.constant 16 : i32
        %mul3A_370 = arith.muli %add3A_368, %mul3A_369 : i32
        %get3A_371 = arith.index_cast %mul3A_370 : i32 to index
        %get3A_372 = tpu.vector_load %arg11[%get3A_371] {strides = array<i32>} : memref<12544xf32, #tpu.memory_space<vmem>>, vector<16xf32>,
        %get3A_373 = vector.shape_cast %get3A_372 : vector<16xf32> to vector<16xf32>
        %swap3A_374 = arith.index_cast %add3A_368 : i32 to index
        %swap3A_375 = arith.constant 0 : index
        %swap3A_376 = tpu.vector_load %arg12[%swap3A_374, %swap3A_375] {strides = array<i32>} : memref<784x16xf32, #tpu.memory_space<vmem>>, vector<1x16xf32>,
        %swap3A_377 = vector.shape_cast %swap3A_376 : vector<1x16xf32> to vector<16xf32>
        %swap3A_378 = vector.shape_cast %get3A_373 : vector<16xf32> to vector<1x16xf32>
        tpu.vector_store %arg12[%swap3A_374, %swap3A_375], %swap3A_378 {strides = array<i32>} : memref<784x16xf32, #tpu.memory_space<vmem>>, vector<1x16xf32>,
        %mul3A_379 = arith.constant 8 : i32
        %mul3A_380 = arith.muli %scan3A_309, %mul3A_379 : i32
        %add3A_381 = arith.constant 5 : i32
        %add3A_382 = arith.addi %mul3A_380, %add3A_381 : i32
        %mul3A_383 = arith.constant 16 : i32
        %mul3A_384 = arith.muli %add3A_382, %mul3A_383 : i32
        %get3A_385 = arith.index_cast %mul3A_384 : i32 to index
        %get3A_386 = tpu.vector_load %arg11[%get3A_385] {strides = array<i32>} : memref<12544xf32, #tpu.memory_space<vmem>>, vector<16xf32>,
        %get3A_387 = vector.shape_cast %get3A_386 : vector<16xf32> to vector<16xf32>
        %swap3A_388 = arith.index_cast %add3A_382 : i32 to index
        %swap3A_389 = arith.constant 0 : index
        %swap3A_390 = tpu.vector_load %arg12[%swap3A_388, %swap3A_389] {strides = array<i32>} : memref<784x16xf32, #tpu.memory_space<vmem>>, vector<1x16xf32>,
        %swap3A_391 = vector.shape_cast %swap3A_390 : vector<1x16xf32> to vector<16xf32>
        %swap3A_392 = vector.shape_cast %get3A_387 : vector<16xf32> to vector<1x16xf32>
        tpu.vector_store %arg12[%swap3A_388, %swap3A_389], %swap3A_392 {strides = array<i32>} : memref<784x16xf32, #tpu.memory_space<vmem>>, vector<1x16xf32>,
        %mul3A_393 = arith.constant 8 : i32
        %mul3A_394 = arith.muli %scan3A_309, %mul3A_393 : i32
        %add3A_395 = arith.constant 6 : i32
        %add3A_396 = arith.addi %mul3A_394, %add3A_395 : i32
        %mul3A_397 = arith.constant 16 : i32
        %mul3A_398 = arith.muli %add3A_396, %mul3A_397 : i32
        %get3A_399 = arith.index_cast %mul3A_398 : i32 to index
        %get3A_400 = tpu.vector_load %arg11[%get3A_399] {strides = array<i32>} : memref<12544xf32, #tpu.memory_space<vmem>>, vector<16xf32>,
        %get3A_401 = vector.shape_cast %get3A_400 : vector<16xf32> to vector<16xf32>
        %swap3A_402 = arith.index_cast %add3A_396 : i32 to index
        %swap3A_403 = arith.constant 0 : index
        %swap3A_404 = tpu.vector_load %arg12[%swap3A_402, %swap3A_403] {strides = array<i32>} : memref<784x16xf32, #tpu.memory_space<vmem>>, vector<1x16xf32>,
        %swap3A_405 = vector.shape_cast %swap3A_404 : vector<1x16xf32> to vector<16xf32>
        %swap3A_406 = vector.shape_cast %get3A_401 : vector<16xf32> to vector<1x16xf32>
        tpu.vector_store %arg12[%swap3A_402, %swap3A_403], %swap3A_406 {strides = array<i32>} : memref<784x16xf32, #tpu.memory_space<vmem>>, vector<1x16xf32>,
        %mul3A_407 = arith.constant 8 : i32
        %mul3A_408 = arith.muli %scan3A_309, %mul3A_407 : i32
        %add3A_409 = arith.constant 7 : i32
        %add3A_410 = arith.addi %mul3A_408, %add3A_409 : i32
        %mul3A_411 = arith.constant 16 : i32
        %mul3A_412 = arith.muli %add3A_410, %mul3A_411 : i32
        %get3A_413 = arith.index_cast %mul3A_412 : i32 to index
        %get3A_414 = tpu.vector_load %arg11[%get3A_413] {strides = array<i32>} : memref<12544xf32, #tpu.memory_space<vmem>>, vector<16xf32>,
        %get3A_415 = vector.shape_cast %get3A_414 : vector<16xf32> to vector<16xf32>
        %swap3A_416 = arith.index_cast %add3A_410 : i32 to index
        %swap3A_417 = arith.constant 0 : index
        %swap3A_418 = tpu.vector_load %arg12[%swap3A_416, %swap3A_417] {strides = array<i32>} : memref<784x16xf32, #tpu.memory_space<vmem>>, vector<1x16xf32>,
        %swap3A_419 = vector.shape_cast %swap3A_418 : vector<1x16xf32> to vector<16xf32>
        %swap3A_420 = vector.shape_cast %get3A_415 : vector<16xf32> to vector<1x16xf32>
        tpu.vector_store %arg12[%swap3A_416, %swap3A_417], %swap3A_420 {strides = array<i32>} : memref<784x16xf32, #tpu.memory_space<vmem>>, vector<1x16xf32>,
        %scan3A_421 = arith.constant 0 : i32
        scf.yield %scan3A_421 : i32
      }
      %scan3A_232 = arith.constant 98 : i32
      %mul3A_233 = arith.constant 3136 : i32
      %mul3A_234 = arith.muli %arg1, %mul3A_233 : i32
      %add3A_235 = arith.constant 0 : i32
      %add3A_236 = arith.addi %mul3A_234, %add3A_235 : i32
      %dma_start3A_237 = tpu.memref_slice %arg4[%select_n3A_85, %add3A_236, %mul3A_103] : memref<8x50176x96xf32, #tpu.memory_space<hbm>> -> memref<1x784x16xf32, #tpu.memory_space<hbm>>
      %dma_start3A_238 = tpu.memref_squeeze %dma_start3A_237 : memref<1x784x16xf32, #tpu.memory_space<hbm>> -> memref<784x16xf32, #tpu.memory_space<hbm>>
      %dma_start3A_239 = tpu.memref_slice %arg4[%select_n3A_85, %add3A_236, %mul3A_103] : memref<8x50176x96xf32, #tpu.memory_space<hbm>> -> memref<1x784x16xf32, #tpu.memory_space<hbm>>
      %dma_start3A_240 = tpu.memref_squeeze %dma_start3A_239 : memref<1x784x16xf32, #tpu.memory_space<hbm>> -> memref<784x16xf32, #tpu.memory_space<hbm>>
      tpu.enqueue_dma source(%arg12 : memref<784x16xf32, #tpu.memory_space<vmem>>) target(%dma_start3A_240 : memref<784x16xf32, #tpu.memory_space<hbm>>) target_semaphore(%arg15 : memref<!tpu.dma_semaphore, #tpu.memory_space<semaphore_mem>>)
      %add3A_241 = arith.constant 12544 : i32
      %add3A_242 = arith.addi %mul3A_107, %add3A_241 : i32
      "tpu.region"() ({
        %run_scoped3A = tpu.sem_alloc : memref<!tpu.dma_semaphore, #tpu.memory_space<semaphore_mem>>
        %dma_start3A_309 = tpu.memref_slice %arg5[%add3A_242] : memref<802816xf32, #tpu.memory_space<vmem_shared>> -> memref<12544xf32, #tpu.memory_space<vmem_shared>>
        %dma_start3A_310 = tpu.memref_slice %arg5[%add3A_242] : memref<802816xf32, #tpu.memory_space<vmem_shared>> -> memref<12544xf32, #tpu.memory_space<vmem_shared>>
        tpu.enqueue_dma source(%dma_start3A_310 : memref<12544xf32, #tpu.memory_space<vmem_shared>>) target(%arg11 : memref<12544xf32, #tpu.memory_space<vmem>>) target_semaphore(%run_scoped3A : memref<!tpu.dma_semaphore, #tpu.memory_space<semaphore_mem>>)
        %dma_wait3A_311 = tpu.memref_slice %arg5[%add3A_242] : memref<802816xf32, #tpu.memory_space<vmem_shared>> -> memref<12544xf32, #tpu.memory_space<vmem_shared>>
        %dma_wait3A_312 = tpu.memref_slice %arg5[%add3A_242] : memref<802816xf32, #tpu.memory_space<vmem_shared>> -> memref<12544xf32, #tpu.memory_space<vmem_shared>>
        tpu.wait_dma2 semaphore(%run_scoped3A : memref<!tpu.dma_semaphore, #tpu.memory_space<semaphore_mem>>) src(%dma_wait3A_312 : memref<12544xf32, #tpu.memory_space<vmem_shared>>) dst(%arg11 : memref<12544xf32, #tpu.memory_space<vmem>>)
        tpu.yield
      }) : () -> ()
      %dma_wait3A_243 = tpu.memref_slice %arg4[%select_n3A_85, %add3A_236, %mul3A_103] : memref<8x50176x96xf32, #tpu.memory_space<hbm>> -> memref<1x784x16xf32, #tpu.memory_space<hbm>>
      %dma_wait3A_244 = tpu.memref_squeeze %dma_wait3A_243 : memref<1x784x16xf32, #tpu.memory_space<hbm>> -> memref<784x16xf32, #tpu.memory_space<hbm>>
      %dma_wait3A_245 = tpu.memref_slice %arg4[%select_n3A_85, %add3A_236, %mul3A_103] : memref<8x50176x96xf32, #tpu.memory_space<hbm>> -> memref<1x784x16xf32, #tpu.memory_space<hbm>>
      %dma_wait3A_246 = tpu.memref_squeeze %dma_wait3A_245 : memref<1x784x16xf32, #tpu.memory_space<hbm>> -> memref<784x16xf32, #tpu.memory_space<hbm>>
      tpu.wait_dma2 semaphore(%arg15 : memref<!tpu.dma_semaphore, #tpu.memory_space<semaphore_mem>>) src(%arg12 : memref<784x16xf32, #tpu.memory_space<vmem>>) dst(%dma_wait3A_246 : memref<784x16xf32, #tpu.memory_space<hbm>>)
      %scan3A_247 = arith.constant 0 : i32
      %scan3A_248 = arith.constant 0 : i32
      %scan3A_249 = arith.constant 98 : i32
      %scan3A_250 = arith.addi %scan3A_248, %scan3A_249 : i32
      %scan3A_251 = arith.constant 1 : i32
      %scan3A_252 = scf.for %scan3A_309 = %scan3A_248 to %scan3A_250 step %scan3A_251 iter_args(%scan3A_310 = %scan3A_247) -> (i32)  : i32 {
        %mul3A_311 = arith.constant 8 : i32
        %mul3A_312 = arith.muli %scan3A_309, %mul3A_311 : i32
        %add3A_313 = arith.constant 0 : i32
        %add3A_314 = arith.addi %mul3A_312, %add3A_313 : i32
        %mul3A_315 = arith.constant 16 : i32
        %mul3A_316 = arith.muli %add3A_314, %mul3A_315 : i32
        %get3A = arith.index_cast %mul3A_316 : i32 to index
        %get3A_317 = tpu.vector_load %arg11[%get3A] {strides = array<i32>} : memref<12544xf32, #tpu.memory_space<vmem>>, vector<16xf32>,
        %get3A_318 = vector.shape_cast %get3A_317 : vector<16xf32> to vector<16xf32>
        %swap3A = arith.index_cast %add3A_314 : i32 to index
        %swap3A_319 = arith.constant 0 : index
        %swap3A_320 = tpu.vector_load %arg12[%swap3A, %swap3A_319] {strides = array<i32>} : memref<784x16xf32, #tpu.memory_space<vmem>>, vector<1x16xf32>,
        %swap3A_321 = vector.shape_cast %swap3A_320 : vector<1x16xf32> to vector<16xf32>
        %swap3A_322 = vector.shape_cast %get3A_318 : vector<16xf32> to vector<1x16xf32>
        tpu.vector_store %arg12[%swap3A, %swap3A_319], %swap3A_322 {strides = array<i32>} : memref<784x16xf32, #tpu.memory_space<vmem>>, vector<1x16xf32>,
        %mul3A_323 = arith.constant 8 : i32
        %mul3A_324 = arith.muli %scan3A_309, %mul3A_323 : i32
        %add3A_325 = arith.constant 1 : i32
        %add3A_326 = arith.addi %mul3A_324, %add3A_325 : i32
        %mul3A_327 = arith.constant 16 : i32
        %mul3A_328 = arith.muli %add3A_326, %mul3A_327 : i32
        %get3A_329 = arith.index_cast %mul3A_328 : i32 to index
        %get3A_330 = tpu.vector_load %arg11[%get3A_329] {strides = array<i32>} : memref<12544xf32, #tpu.memory_space<vmem>>, vector<16xf32>,
        %get3A_331 = vector.shape_cast %get3A_330 : vector<16xf32> to vector<16xf32>
        %swap3A_332 = arith.index_cast %add3A_326 : i32 to index
        %swap3A_333 = arith.constant 0 : index
        %swap3A_334 = tpu.vector_load %arg12[%swap3A_332, %swap3A_333] {strides = array<i32>} : memref<784x16xf32, #tpu.memory_space<vmem>>, vector<1x16xf32>,
        %swap3A_335 = vector.shape_cast %swap3A_334 : vector<1x16xf32> to vector<16xf32>
        %swap3A_336 = vector.shape_cast %get3A_331 : vector<16xf32> to vector<1x16xf32>
        tpu.vector_store %arg12[%swap3A_332, %swap3A_333], %swap3A_336 {strides = array<i32>} : memref<784x16xf32, #tpu.memory_space<vmem>>, vector<1x16xf32>,
        %mul3A_337 = arith.constant 8 : i32
        %mul3A_338 = arith.muli %scan3A_309, %mul3A_337 : i32
        %add3A_339 = arith.constant 2 : i32
        %add3A_340 = arith.addi %mul3A_338, %add3A_339 : i32
        %mul3A_341 = arith.constant 16 : i32
        %mul3A_342 = arith.muli %add3A_340, %mul3A_341 : i32
        %get3A_343 = arith.index_cast %mul3A_342 : i32 to index
        %get3A_344 = tpu.vector_load %arg11[%get3A_343] {strides = array<i32>} : memref<12544xf32, #tpu.memory_space<vmem>>, vector<16xf32>,
        %get3A_345 = vector.shape_cast %get3A_344 : vector<16xf32> to vector<16xf32>
        %swap3A_346 = arith.index_cast %add3A_340 : i32 to index
        %swap3A_347 = arith.constant 0 : index
        %swap3A_348 = tpu.vector_load %arg12[%swap3A_346, %swap3A_347] {strides = array<i32>} : memref<784x16xf32, #tpu.memory_space<vmem>>, vector<1x16xf32>,
        %swap3A_349 = vector.shape_cast %swap3A_348 : vector<1x16xf32> to vector<16xf32>
        %swap3A_350 = vector.shape_cast %get3A_345 : vector<16xf32> to vector<1x16xf32>
        tpu.vector_store %arg12[%swap3A_346, %swap3A_347], %swap3A_350 {strides = array<i32>} : memref<784x16xf32, #tpu.memory_space<vmem>>, vector<1x16xf32>,
        %mul3A_351 = arith.constant 8 : i32
        %mul3A_352 = arith.muli %scan3A_309, %mul3A_351 : i32
        %add3A_353 = arith.constant 3 : i32
        %add3A_354 = arith.addi %mul3A_352, %add3A_353 : i32
        %mul3A_355 = arith.constant 16 : i32
        %mul3A_356 = arith.muli %add3A_354, %mul3A_355 : i32
        %get3A_357 = arith.index_cast %mul3A_356 : i32 to index
        %get3A_358 = tpu.vector_load %arg11[%get3A_357] {strides = array<i32>} : memref<12544xf32, #tpu.memory_space<vmem>>, vector<16xf32>,
        %get3A_359 = vector.shape_cast %get3A_358 : vector<16xf32> to vector<16xf32>
        %swap3A_360 = arith.index_cast %add3A_354 : i32 to index
        %swap3A_361 = arith.constant 0 : index
        %swap3A_362 = tpu.vector_load %arg12[%swap3A_360, %swap3A_361] {strides = array<i32>} : memref<784x16xf32, #tpu.memory_space<vmem>>, vector<1x16xf32>,
        %swap3A_363 = vector.shape_cast %swap3A_362 : vector<1x16xf32> to vector<16xf32>
        %swap3A_364 = vector.shape_cast %get3A_359 : vector<16xf32> to vector<1x16xf32>
        tpu.vector_store %arg12[%swap3A_360, %swap3A_361], %swap3A_364 {strides = array<i32>} : memref<784x16xf32, #tpu.memory_space<vmem>>, vector<1x16xf32>,
        %mul3A_365 = arith.constant 8 : i32
        %mul3A_366 = arith.muli %scan3A_309, %mul3A_365 : i32
        %add3A_367 = arith.constant 4 : i32
        %add3A_368 = arith.addi %mul3A_366, %add3A_367 : i32
        %mul3A_369 = arith.constant 16 : i32
        %mul3A_370 = arith.muli %add3A_368, %mul3A_369 : i32
        %get3A_371 = arith.index_cast %mul3A_370 : i32 to index
        %get3A_372 = tpu.vector_load %arg11[%get3A_371] {strides = array<i32>} : memref<12544xf32, #tpu.memory_space<vmem>>, vector<16xf32>,
        %get3A_373 = vector.shape_cast %get3A_372 : vector<16xf32> to vector<16xf32>
        %swap3A_374 = arith.index_cast %add3A_368 : i32 to index
        %swap3A_375 = arith.constant 0 : index
        %swap3A_376 = tpu.vector_load %arg12[%swap3A_374, %swap3A_375] {strides = array<i32>} : memref<784x16xf32, #tpu.memory_space<vmem>>, vector<1x16xf32>,
        %swap3A_377 = vector.shape_cast %swap3A_376 : vector<1x16xf32> to vector<16xf32>
        %swap3A_378 = vector.shape_cast %get3A_373 : vector<16xf32> to vector<1x16xf32>
        tpu.vector_store %arg12[%swap3A_374, %swap3A_375], %swap3A_378 {strides = array<i32>} : memref<784x16xf32, #tpu.memory_space<vmem>>, vector<1x16xf32>,
        %mul3A_379 = arith.constant 8 : i32
        %mul3A_380 = arith.muli %scan3A_309, %mul3A_379 : i32
        %add3A_381 = arith.constant 5 : i32
        %add3A_382 = arith.addi %mul3A_380, %add3A_381 : i32
        %mul3A_383 = arith.constant 16 : i32
        %mul3A_384 = arith.muli %add3A_382, %mul3A_383 : i32
        %get3A_385 = arith.index_cast %mul3A_384 : i32 to index
        %get3A_386 = tpu.vector_load %arg11[%get3A_385] {strides = array<i32>} : memref<12544xf32, #tpu.memory_space<vmem>>, vector<16xf32>,
        %get3A_387 = vector.shape_cast %get3A_386 : vector<16xf32> to vector<16xf32>
        %swap3A_388 = arith.index_cast %add3A_382 : i32 to index
        %swap3A_389 = arith.constant 0 : index
        %swap3A_390 = tpu.vector_load %arg12[%swap3A_388, %swap3A_389] {strides = array<i32>} : memref<784x16xf32, #tpu.memory_space<vmem>>, vector<1x16xf32>,
        %swap3A_391 = vector.shape_cast %swap3A_390 : vector<1x16xf32> to vector<16xf32>
        %swap3A_392 = vector.shape_cast %get3A_387 : vector<16xf32> to vector<1x16xf32>
        tpu.vector_store %arg12[%swap3A_388, %swap3A_389], %swap3A_392 {strides = array<i32>} : memref<784x16xf32, #tpu.memory_space<vmem>>, vector<1x16xf32>,
        %mul3A_393 = arith.constant 8 : i32
        %mul3A_394 = arith.muli %scan3A_309, %mul3A_393 : i32
        %add3A_395 = arith.constant 6 : i32
        %add3A_396 = arith.addi %mul3A_394, %add3A_395 : i32
        %mul3A_397 = arith.constant 16 : i32
        %mul3A_398 = arith.muli %add3A_396, %mul3A_397 : i32
        %get3A_399 = arith.index_cast %mul3A_398 : i32 to index
        %get3A_400 = tpu.vector_load %arg11[%get3A_399] {strides = array<i32>} : memref<12544xf32, #tpu.memory_space<vmem>>, vector<16xf32>,
        %get3A_401 = vector.shape_cast %get3A_400 : vector<16xf32> to vector<16xf32>
        %swap3A_402 = arith.index_cast %add3A_396 : i32 to index
        %swap3A_403 = arith.constant 0 : index
        %swap3A_404 = tpu.vector_load %arg12[%swap3A_402, %swap3A_403] {strides = array<i32>} : memref<784x16xf32, #tpu.memory_space<vmem>>, vector<1x16xf32>,
        %swap3A_405 = vector.shape_cast %swap3A_404 : vector<1x16xf32> to vector<16xf32>
        %swap3A_406 = vector.shape_cast %get3A_401 : vector<16xf32> to vector<1x16xf32>
        tpu.vector_store %arg12[%swap3A_402, %swap3A_403], %swap3A_406 {strides = array<i32>} : memref<784x16xf32, #tpu.memory_space<vmem>>, vector<1x16xf32>,
        %mul3A_407 = arith.constant 8 : i32
        %mul3A_408 = arith.muli %scan3A_309, %mul3A_407 : i32
        %add3A_409 = arith.constant 7 : i32
        %add3A_410 = arith.addi %mul3A_408, %add3A_409 : i32
        %mul3A_411 = arith.constant 16 : i32
        %mul3A_412 = arith.muli %add3A_410, %mul3A_411 : i32
        %get3A_413 = arith.index_cast %mul3A_412 : i32 to index
        %get3A_414 = tpu.vector_load %arg11[%get3A_413] {strides = array<i32>} : memref<12544xf32, #tpu.memory_space<vmem>>, vector<16xf32>,
        %get3A_415 = vector.shape_cast %get3A_414 : vector<16xf32> to vector<16xf32>
        %swap3A_416 = arith.index_cast %add3A_410 : i32 to index
        %swap3A_417 = arith.constant 0 : index
        %swap3A_418 = tpu.vector_load %arg12[%swap3A_416, %swap3A_417] {strides = array<i32>} : memref<784x16xf32, #tpu.memory_space<vmem>>, vector<1x16xf32>,
        %swap3A_419 = vector.shape_cast %swap3A_418 : vector<1x16xf32> to vector<16xf32>
        %swap3A_420 = vector.shape_cast %get3A_415 : vector<16xf32> to vector<1x16xf32>
        tpu.vector_store %arg12[%swap3A_416, %swap3A_417], %swap3A_420 {strides = array<i32>} : memref<784x16xf32, #tpu.memory_space<vmem>>, vector<1x16xf32>,
        %scan3A_421 = arith.constant 0 : i32
        scf.yield %scan3A_421 : i32
      }
      %scan3A_253 = arith.constant 98 : i32
      %mul3A_254 = arith.constant 3136 : i32
      %mul3A_255 = arith.muli %arg1, %mul3A_254 : i32
      %add3A_256 = arith.constant 784 : i32
      %add3A_257 = arith.addi %mul3A_255, %add3A_256 : i32
      %dma_start3A_258 = tpu.memref_slice %arg4[%select_n3A_85, %add3A_257, %mul3A_103] : memref<8x50176x96xf32, #tpu.memory_space<hbm>> -> memref<1x784x16xf32, #tpu.memory_space<hbm>>
      %dma_start3A_259 = tpu.memref_squeeze %dma_start3A_258 : memref<1x784x16xf32, #tpu.memory_space<hbm>> -> memref<784x16xf32, #tpu.memory_space<hbm>>
      %dma_start3A_260 = tpu.memref_slice %arg4[%select_n3A_85, %add3A_257, %mul3A_103] : memref<8x50176x96xf32, #tpu.memory_space<hbm>> -> memref<1x784x16xf32, #tpu.memory_space<hbm>>
      %dma_start3A_261 = tpu.memref_squeeze %dma_start3A_260 : memref<1x784x16xf32, #tpu.memory_space<hbm>> -> memref<784x16xf32, #tpu.memory_space<hbm>>
      tpu.enqueue_dma source(%arg12 : memref<784x16xf32, #tpu.memory_space<vmem>>) target(%dma_start3A_261 : memref<784x16xf32, #tpu.memory_space<hbm>>) target_semaphore(%arg15 : memref<!tpu.dma_semaphore, #tpu.memory_space<semaphore_mem>>)
      %add3A_262 = arith.constant 25088 : i32
      %add3A_263 = arith.addi %mul3A_107, %add3A_262 : i32
      "tpu.region"() ({
        %run_scoped3A = tpu.sem_alloc : memref<!tpu.dma_semaphore, #tpu.memory_space<semaphore_mem>>
        %dma_start3A_309 = tpu.memref_slice %arg5[%add3A_263] : memref<802816xf32, #tpu.memory_space<vmem_shared>> -> memref<12544xf32, #tpu.memory_space<vmem_shared>>
        %dma_start3A_310 = tpu.memref_slice %arg5[%add3A_263] : memref<802816xf32, #tpu.memory_space<vmem_shared>> -> memref<12544xf32, #tpu.memory_space<vmem_shared>>
        tpu.enqueue_dma source(%dma_start3A_310 : memref<12544xf32, #tpu.memory_space<vmem_shared>>) target(%arg11 : memref<12544xf32, #tpu.memory_space<vmem>>) target_semaphore(%run_scoped3A : memref<!tpu.dma_semaphore, #tpu.memory_space<semaphore_mem>>)
        %dma_wait3A_311 = tpu.memref_slice %arg5[%add3A_263] : memref<802816xf32, #tpu.memory_space<vmem_shared>> -> memref<12544xf32, #tpu.memory_space<vmem_shared>>
        %dma_wait3A_312 = tpu.memref_slice %arg5[%add3A_263] : memref<802816xf32, #tpu.memory_space<vmem_shared>> -> memref<12544xf32, #tpu.memory_space<vmem_shared>>
        tpu.wait_dma2 semaphore(%run_scoped3A : memref<!tpu.dma_semaphore, #tpu.memory_space<semaphore_mem>>) src(%dma_wait3A_312 : memref<12544xf32, #tpu.memory_space<vmem_shared>>) dst(%arg11 : memref<12544xf32, #tpu.memory_space<vmem>>)
        tpu.yield
      }) : () -> ()
      %dma_wait3A_264 = tpu.memref_slice %arg4[%select_n3A_85, %add3A_257, %mul3A_103] : memref<8x50176x96xf32, #tpu.memory_space<hbm>> -> memref<1x784x16xf32, #tpu.memory_space<hbm>>
      %dma_wait3A_265 = tpu.memref_squeeze %dma_wait3A_264 : memref<1x784x16xf32, #tpu.memory_space<hbm>> -> memref<784x16xf32, #tpu.memory_space<hbm>>
      %dma_wait3A_266 = tpu.memref_slice %arg4[%select_n3A_85, %add3A_257, %mul3A_103] : memref<8x50176x96xf32, #tpu.memory_space<hbm>> -> memref<1x784x16xf32, #tpu.memory_space<hbm>>
      %dma_wait3A_267 = tpu.memref_squeeze %dma_wait3A_266 : memref<1x784x16xf32, #tpu.memory_space<hbm>> -> memref<784x16xf32, #tpu.memory_space<hbm>>
      tpu.wait_dma2 semaphore(%arg15 : memref<!tpu.dma_semaphore, #tpu.memory_space<semaphore_mem>>) src(%arg12 : memref<784x16xf32, #tpu.memory_space<vmem>>) dst(%dma_wait3A_267 : memref<784x16xf32, #tpu.memory_space<hbm>>)
      %scan3A_268 = arith.constant 0 : i32
      %scan3A_269 = arith.constant 0 : i32
      %scan3A_270 = arith.constant 98 : i32
      %scan3A_271 = arith.addi %scan3A_269, %scan3A_270 : i32
      %scan3A_272 = arith.constant 1 : i32
      %scan3A_273 = scf.for %scan3A_309 = %scan3A_269 to %scan3A_271 step %scan3A_272 iter_args(%scan3A_310 = %scan3A_268) -> (i32)  : i32 {
        %mul3A_311 = arith.constant 8 : i32
        %mul3A_312 = arith.muli %scan3A_309, %mul3A_311 : i32
        %add3A_313 = arith.constant 0 : i32
        %add3A_314 = arith.addi %mul3A_312, %add3A_313 : i32
        %mul3A_315 = arith.constant 16 : i32
        %mul3A_316 = arith.muli %add3A_314, %mul3A_315 : i32
        %get3A = arith.index_cast %mul3A_316 : i32 to index
        %get3A_317 = tpu.vector_load %arg11[%get3A] {strides = array<i32>} : memref<12544xf32, #tpu.memory_space<vmem>>, vector<16xf32>,
        %get3A_318 = vector.shape_cast %get3A_317 : vector<16xf32> to vector<16xf32>
        %swap3A = arith.index_cast %add3A_314 : i32 to index
        %swap3A_319 = arith.constant 0 : index
        %swap3A_320 = tpu.vector_load %arg12[%swap3A, %swap3A_319] {strides = array<i32>} : memref<784x16xf32, #tpu.memory_space<vmem>>, vector<1x16xf32>,
        %swap3A_321 = vector.shape_cast %swap3A_320 : vector<1x16xf32> to vector<16xf32>
        %swap3A_322 = vector.shape_cast %get3A_318 : vector<16xf32> to vector<1x16xf32>
        tpu.vector_store %arg12[%swap3A, %swap3A_319], %swap3A_322 {strides = array<i32>} : memref<784x16xf32, #tpu.memory_space<vmem>>, vector<1x16xf32>,
        %mul3A_323 = arith.constant 8 : i32
        %mul3A_324 = arith.muli %scan3A_309, %mul3A_323 : i32
        %add3A_325 = arith.constant 1 : i32
        %add3A_326 = arith.addi %mul3A_324, %add3A_325 : i32
        %mul3A_327 = arith.constant 16 : i32
        %mul3A_328 = arith.muli %add3A_326, %mul3A_327 : i32
        %get3A_329 = arith.index_cast %mul3A_328 : i32 to index
        %get3A_330 = tpu.vector_load %arg11[%get3A_329] {strides = array<i32>} : memref<12544xf32, #tpu.memory_space<vmem>>, vector<16xf32>,
        %get3A_331 = vector.shape_cast %get3A_330 : vector<16xf32> to vector<16xf32>
        %swap3A_332 = arith.index_cast %add3A_326 : i32 to index
        %swap3A_333 = arith.constant 0 : index
        %swap3A_334 = tpu.vector_load %arg12[%swap3A_332, %swap3A_333] {strides = array<i32>} : memref<784x16xf32, #tpu.memory_space<vmem>>, vector<1x16xf32>,
        %swap3A_335 = vector.shape_cast %swap3A_334 : vector<1x16xf32> to vector<16xf32>
        %swap3A_336 = vector.shape_cast %get3A_331 : vector<16xf32> to vector<1x16xf32>
        tpu.vector_store %arg12[%swap3A_332, %swap3A_333], %swap3A_336 {strides = array<i32>} : memref<784x16xf32, #tpu.memory_space<vmem>>, vector<1x16xf32>,
        %mul3A_337 = arith.constant 8 : i32
        %mul3A_338 = arith.muli %scan3A_309, %mul3A_337 : i32
        %add3A_339 = arith.constant 2 : i32
        %add3A_340 = arith.addi %mul3A_338, %add3A_339 : i32
        %mul3A_341 = arith.constant 16 : i32
        %mul3A_342 = arith.muli %add3A_340, %mul3A_341 : i32
        %get3A_343 = arith.index_cast %mul3A_342 : i32 to index
        %get3A_344 = tpu.vector_load %arg11[%get3A_343] {strides = array<i32>} : memref<12544xf32, #tpu.memory_space<vmem>>, vector<16xf32>,
        %get3A_345 = vector.shape_cast %get3A_344 : vector<16xf32> to vector<16xf32>
        %swap3A_346 = arith.index_cast %add3A_340 : i32 to index
        %swap3A_347 = arith.constant 0 : index
        %swap3A_348 = tpu.vector_load %arg12[%swap3A_346, %swap3A_347] {strides = array<i32>} : memref<784x16xf32, #tpu.memory_space<vmem>>, vector<1x16xf32>,
        %swap3A_349 = vector.shape_cast %swap3A_348 : vector<1x16xf32> to vector<16xf32>
        %swap3A_350 = vector.shape_cast %get3A_345 : vector<16xf32> to vector<1x16xf32>
        tpu.vector_store %arg12[%swap3A_346, %swap3A_347], %swap3A_350 {strides = array<i32>} : memref<784x16xf32, #tpu.memory_space<vmem>>, vector<1x16xf32>,
        %mul3A_351 = arith.constant 8 : i32
        %mul3A_352 = arith.muli %scan3A_309, %mul3A_351 : i32
        %add3A_353 = arith.constant 3 : i32
        %add3A_354 = arith.addi %mul3A_352, %add3A_353 : i32
        %mul3A_355 = arith.constant 16 : i32
        %mul3A_356 = arith.muli %add3A_354, %mul3A_355 : i32
        %get3A_357 = arith.index_cast %mul3A_356 : i32 to index
        %get3A_358 = tpu.vector_load %arg11[%get3A_357] {strides = array<i32>} : memref<12544xf32, #tpu.memory_space<vmem>>, vector<16xf32>,
        %get3A_359 = vector.shape_cast %get3A_358 : vector<16xf32> to vector<16xf32>
        %swap3A_360 = arith.index_cast %add3A_354 : i32 to index
        %swap3A_361 = arith.constant 0 : index
        %swap3A_362 = tpu.vector_load %arg12[%swap3A_360, %swap3A_361] {strides = array<i32>} : memref<784x16xf32, #tpu.memory_space<vmem>>, vector<1x16xf32>,
        %swap3A_363 = vector.shape_cast %swap3A_362 : vector<1x16xf32> to vector<16xf32>
        %swap3A_364 = vector.shape_cast %get3A_359 : vector<16xf32> to vector<1x16xf32>
        tpu.vector_store %arg12[%swap3A_360, %swap3A_361], %swap3A_364 {strides = array<i32>} : memref<784x16xf32, #tpu.memory_space<vmem>>, vector<1x16xf32>,
        %mul3A_365 = arith.constant 8 : i32
        %mul3A_366 = arith.muli %scan3A_309, %mul3A_365 : i32
        %add3A_367 = arith.constant 4 : i32
        %add3A_368 = arith.addi %mul3A_366, %add3A_367 : i32
        %mul3A_369 = arith.constant 16 : i32
        %mul3A_370 = arith.muli %add3A_368, %mul3A_369 : i32
        %get3A_371 = arith.index_cast %mul3A_370 : i32 to index
        %get3A_372 = tpu.vector_load %arg11[%get3A_371] {strides = array<i32>} : memref<12544xf32, #tpu.memory_space<vmem>>, vector<16xf32>,
        %get3A_373 = vector.shape_cast %get3A_372 : vector<16xf32> to vector<16xf32>
        %swap3A_374 = arith.index_cast %add3A_368 : i32 to index
        %swap3A_375 = arith.constant 0 : index
        %swap3A_376 = tpu.vector_load %arg12[%swap3A_374, %swap3A_375] {strides = array<i32>} : memref<784x16xf32, #tpu.memory_space<vmem>>, vector<1x16xf32>,
        %swap3A_377 = vector.shape_cast %swap3A_376 : vector<1x16xf32> to vector<16xf32>
        %swap3A_378 = vector.shape_cast %get3A_373 : vector<16xf32> to vector<1x16xf32>
        tpu.vector_store %arg12[%swap3A_374, %swap3A_375], %swap3A_378 {strides = array<i32>} : memref<784x16xf32, #tpu.memory_space<vmem>>, vector<1x16xf32>,
        %mul3A_379 = arith.constant 8 : i32
        %mul3A_380 = arith.muli %scan3A_309, %mul3A_379 : i32
        %add3A_381 = arith.constant 5 : i32
        %add3A_382 = arith.addi %mul3A_380, %add3A_381 : i32
        %mul3A_383 = arith.constant 16 : i32
        %mul3A_384 = arith.muli %add3A_382, %mul3A_383 : i32
        %get3A_385 = arith.index_cast %mul3A_384 : i32 to index
        %get3A_386 = tpu.vector_load %arg11[%get3A_385] {strides = array<i32>} : memref<12544xf32, #tpu.memory_space<vmem>>, vector<16xf32>,
        %get3A_387 = vector.shape_cast %get3A_386 : vector<16xf32> to vector<16xf32>
        %swap3A_388 = arith.index_cast %add3A_382 : i32 to index
        %swap3A_389 = arith.constant 0 : index
        %swap3A_390 = tpu.vector_load %arg12[%swap3A_388, %swap3A_389] {strides = array<i32>} : memref<784x16xf32, #tpu.memory_space<vmem>>, vector<1x16xf32>,
        %swap3A_391 = vector.shape_cast %swap3A_390 : vector<1x16xf32> to vector<16xf32>
        %swap3A_392 = vector.shape_cast %get3A_387 : vector<16xf32> to vector<1x16xf32>
        tpu.vector_store %arg12[%swap3A_388, %swap3A_389], %swap3A_392 {strides = array<i32>} : memref<784x16xf32, #tpu.memory_space<vmem>>, vector<1x16xf32>,
        %mul3A_393 = arith.constant 8 : i32
        %mul3A_394 = arith.muli %scan3A_309, %mul3A_393 : i32
        %add3A_395 = arith.constant 6 : i32
        %add3A_396 = arith.addi %mul3A_394, %add3A_395 : i32
        %mul3A_397 = arith.constant 16 : i32
        %mul3A_398 = arith.muli %add3A_396, %mul3A_397 : i32
        %get3A_399 = arith.index_cast %mul3A_398 : i32 to index
        %get3A_400 = tpu.vector_load %arg11[%get3A_399] {strides = array<i32>} : memref<12544xf32, #tpu.memory_space<vmem>>, vector<16xf32>,
        %get3A_401 = vector.shape_cast %get3A_400 : vector<16xf32> to vector<16xf32>
        %swap3A_402 = arith.index_cast %add3A_396 : i32 to index
        %swap3A_403 = arith.constant 0 : index
        %swap3A_404 = tpu.vector_load %arg12[%swap3A_402, %swap3A_403] {strides = array<i32>} : memref<784x16xf32, #tpu.memory_space<vmem>>, vector<1x16xf32>,
        %swap3A_405 = vector.shape_cast %swap3A_404 : vector<1x16xf32> to vector<16xf32>
        %swap3A_406 = vector.shape_cast %get3A_401 : vector<16xf32> to vector<1x16xf32>
        tpu.vector_store %arg12[%swap3A_402, %swap3A_403], %swap3A_406 {strides = array<i32>} : memref<784x16xf32, #tpu.memory_space<vmem>>, vector<1x16xf32>,
        %mul3A_407 = arith.constant 8 : i32
        %mul3A_408 = arith.muli %scan3A_309, %mul3A_407 : i32
        %add3A_409 = arith.constant 7 : i32
        %add3A_410 = arith.addi %mul3A_408, %add3A_409 : i32
        %mul3A_411 = arith.constant 16 : i32
        %mul3A_412 = arith.muli %add3A_410, %mul3A_411 : i32
        %get3A_413 = arith.index_cast %mul3A_412 : i32 to index
        %get3A_414 = tpu.vector_load %arg11[%get3A_413] {strides = array<i32>} : memref<12544xf32, #tpu.memory_space<vmem>>, vector<16xf32>,
        %get3A_415 = vector.shape_cast %get3A_414 : vector<16xf32> to vector<16xf32>
        %swap3A_416 = arith.index_cast %add3A_410 : i32 to index
        %swap3A_417 = arith.constant 0 : index
        %swap3A_418 = tpu.vector_load %arg12[%swap3A_416, %swap3A_417] {strides = array<i32>} : memref<784x16xf32, #tpu.memory_space<vmem>>, vector<1x16xf32>,
        %swap3A_419 = vector.shape_cast %swap3A_418 : vector<1x16xf32> to vector<16xf32>
        %swap3A_420 = vector.shape_cast %get3A_415 : vector<16xf32> to vector<1x16xf32>
        tpu.vector_store %arg12[%swap3A_416, %swap3A_417], %swap3A_420 {strides = array<i32>} : memref<784x16xf32, #tpu.memory_space<vmem>>, vector<1x16xf32>,
        %scan3A_421 = arith.constant 0 : i32
        scf.yield %scan3A_421 : i32
      }
      %scan3A_274 = arith.constant 98 : i32
      %mul3A_275 = arith.constant 3136 : i32
      %mul3A_276 = arith.muli %arg1, %mul3A_275 : i32
      %add3A_277 = arith.constant 1568 : i32
      %add3A_278 = arith.addi %mul3A_276, %add3A_277 : i32
      %dma_start3A_279 = tpu.memref_slice %arg4[%select_n3A_85, %add3A_278, %mul3A_103] : memref<8x50176x96xf32, #tpu.memory_space<hbm>> -> memref<1x784x16xf32, #tpu.memory_space<hbm>>
      %dma_start3A_280 = tpu.memref_squeeze %dma_start3A_279 : memref<1x784x16xf32, #tpu.memory_space<hbm>> -> memref<784x16xf32, #tpu.memory_space<hbm>>
      %dma_start3A_281 = tpu.memref_slice %arg4[%select_n3A_85, %add3A_278, %mul3A_103] : memref<8x50176x96xf32, #tpu.memory_space<hbm>> -> memref<1x784x16xf32, #tpu.memory_space<hbm>>
      %dma_start3A_282 = tpu.memref_squeeze %dma_start3A_281 : memref<1x784x16xf32, #tpu.memory_space<hbm>> -> memref<784x16xf32, #tpu.memory_space<hbm>>
      tpu.enqueue_dma source(%arg12 : memref<784x16xf32, #tpu.memory_space<vmem>>) target(%dma_start3A_282 : memref<784x16xf32, #tpu.memory_space<hbm>>) target_semaphore(%arg15 : memref<!tpu.dma_semaphore, #tpu.memory_space<semaphore_mem>>)
      %add3A_283 = arith.constant 37632 : i32
      %add3A_284 = arith.addi %mul3A_107, %add3A_283 : i32
      "tpu.region"() ({
        %run_scoped3A = tpu.sem_alloc : memref<!tpu.dma_semaphore, #tpu.memory_space<semaphore_mem>>
        %dma_start3A_309 = tpu.memref_slice %arg5[%add3A_284] : memref<802816xf32, #tpu.memory_space<vmem_shared>> -> memref<12544xf32, #tpu.memory_space<vmem_shared>>
        %dma_start3A_310 = tpu.memref_slice %arg5[%add3A_284] : memref<802816xf32, #tpu.memory_space<vmem_shared>> -> memref<12544xf32, #tpu.memory_space<vmem_shared>>
        tpu.enqueue_dma source(%dma_start3A_310 : memref<12544xf32, #tpu.memory_space<vmem_shared>>) target(%arg11 : memref<12544xf32, #tpu.memory_space<vmem>>) target_semaphore(%run_scoped3A : memref<!tpu.dma_semaphore, #tpu.memory_space<semaphore_mem>>)
        %dma_wait3A_311 = tpu.memref_slice %arg5[%add3A_284] : memref<802816xf32, #tpu.memory_space<vmem_shared>> -> memref<12544xf32, #tpu.memory_space<vmem_shared>>
        %dma_wait3A_312 = tpu.memref_slice %arg5[%add3A_284] : memref<802816xf32, #tpu.memory_space<vmem_shared>> -> memref<12544xf32, #tpu.memory_space<vmem_shared>>
        tpu.wait_dma2 semaphore(%run_scoped3A : memref<!tpu.dma_semaphore, #tpu.memory_space<semaphore_mem>>) src(%dma_wait3A_312 : memref<12544xf32, #tpu.memory_space<vmem_shared>>) dst(%arg11 : memref<12544xf32, #tpu.memory_space<vmem>>)
        tpu.yield
      }) : () -> ()
      %dma_wait3A_285 = tpu.memref_slice %arg4[%select_n3A_85, %add3A_278, %mul3A_103] : memref<8x50176x96xf32, #tpu.memory_space<hbm>> -> memref<1x784x16xf32, #tpu.memory_space<hbm>>
      %dma_wait3A_286 = tpu.memref_squeeze %dma_wait3A_285 : memref<1x784x16xf32, #tpu.memory_space<hbm>> -> memref<784x16xf32, #tpu.memory_space<hbm>>
      %dma_wait3A_287 = tpu.memref_slice %arg4[%select_n3A_85, %add3A_278, %mul3A_103] : memref<8x50176x96xf32, #tpu.memory_space<hbm>> -> memref<1x784x16xf32, #tpu.memory_space<hbm>>
      %dma_wait3A_288 = tpu.memref_squeeze %dma_wait3A_287 : memref<1x784x16xf32, #tpu.memory_space<hbm>> -> memref<784x16xf32, #tpu.memory_space<hbm>>
      tpu.wait_dma2 semaphore(%arg15 : memref<!tpu.dma_semaphore, #tpu.memory_space<semaphore_mem>>) src(%arg12 : memref<784x16xf32, #tpu.memory_space<vmem>>) dst(%dma_wait3A_288 : memref<784x16xf32, #tpu.memory_space<hbm>>)
      %scan3A_289 = arith.constant 0 : i32
      %scan3A_290 = arith.constant 0 : i32
      %scan3A_291 = arith.constant 98 : i32
      %scan3A_292 = arith.addi %scan3A_290, %scan3A_291 : i32
      %scan3A_293 = arith.constant 1 : i32
      %scan3A_294 = scf.for %scan3A_309 = %scan3A_290 to %scan3A_292 step %scan3A_293 iter_args(%scan3A_310 = %scan3A_289) -> (i32)  : i32 {
        %mul3A_311 = arith.constant 8 : i32
        %mul3A_312 = arith.muli %scan3A_309, %mul3A_311 : i32
        %add3A_313 = arith.constant 0 : i32
        %add3A_314 = arith.addi %mul3A_312, %add3A_313 : i32
        %mul3A_315 = arith.constant 16 : i32
        %mul3A_316 = arith.muli %add3A_314, %mul3A_315 : i32
        %get3A = arith.index_cast %mul3A_316 : i32 to index
        %get3A_317 = tpu.vector_load %arg11[%get3A] {strides = array<i32>} : memref<12544xf32, #tpu.memory_space<vmem>>, vector<16xf32>,
        %get3A_318 = vector.shape_cast %get3A_317 : vector<16xf32> to vector<16xf32>
        %swap3A = arith.index_cast %add3A_314 : i32 to index
        %swap3A_319 = arith.constant 0 : index
        %swap3A_320 = tpu.vector_load %arg12[%swap3A, %swap3A_319] {strides = array<i32>} : memref<784x16xf32, #tpu.memory_space<vmem>>, vector<1x16xf32>,
        %swap3A_321 = vector.shape_cast %swap3A_320 : vector<1x16xf32> to vector<16xf32>
        %swap3A_322 = vector.shape_cast %get3A_318 : vector<16xf32> to vector<1x16xf32>
        tpu.vector_store %arg12[%swap3A, %swap3A_319], %swap3A_322 {strides = array<i32>} : memref<784x16xf32, #tpu.memory_space<vmem>>, vector<1x16xf32>,
        %mul3A_323 = arith.constant 8 : i32
        %mul3A_324 = arith.muli %scan3A_309, %mul3A_323 : i32
        %add3A_325 = arith.constant 1 : i32
        %add3A_326 = arith.addi %mul3A_324, %add3A_325 : i32
        %mul3A_327 = arith.constant 16 : i32
        %mul3A_328 = arith.muli %add3A_326, %mul3A_327 : i32
        %get3A_329 = arith.index_cast %mul3A_328 : i32 to index
        %get3A_330 = tpu.vector_load %arg11[%get3A_329] {strides = array<i32>} : memref<12544xf32, #tpu.memory_space<vmem>>, vector<16xf32>,
        %get3A_331 = vector.shape_cast %get3A_330 : vector<16xf32> to vector<16xf32>
        %swap3A_332 = arith.index_cast %add3A_326 : i32 to index
        %swap3A_333 = arith.constant 0 : index
        %swap3A_334 = tpu.vector_load %arg12[%swap3A_332, %swap3A_333] {strides = array<i32>} : memref<784x16xf32, #tpu.memory_space<vmem>>, vector<1x16xf32>,
        %swap3A_335 = vector.shape_cast %swap3A_334 : vector<1x16xf32> to vector<16xf32>
        %swap3A_336 = vector.shape_cast %get3A_331 : vector<16xf32> to vector<1x16xf32>
        tpu.vector_store %arg12[%swap3A_332, %swap3A_333], %swap3A_336 {strides = array<i32>} : memref<784x16xf32, #tpu.memory_space<vmem>>, vector<1x16xf32>,
        %mul3A_337 = arith.constant 8 : i32
        %mul3A_338 = arith.muli %scan3A_309, %mul3A_337 : i32
        %add3A_339 = arith.constant 2 : i32
        %add3A_340 = arith.addi %mul3A_338, %add3A_339 : i32
        %mul3A_341 = arith.constant 16 : i32
        %mul3A_342 = arith.muli %add3A_340, %mul3A_341 : i32
        %get3A_343 = arith.index_cast %mul3A_342 : i32 to index
        %get3A_344 = tpu.vector_load %arg11[%get3A_343] {strides = array<i32>} : memref<12544xf32, #tpu.memory_space<vmem>>, vector<16xf32>,
        %get3A_345 = vector.shape_cast %get3A_344 : vector<16xf32> to vector<16xf32>
        %swap3A_346 = arith.index_cast %add3A_340 : i32 to index
        %swap3A_347 = arith.constant 0 : index
        %swap3A_348 = tpu.vector_load %arg12[%swap3A_346, %swap3A_347] {strides = array<i32>} : memref<784x16xf32, #tpu.memory_space<vmem>>, vector<1x16xf32>,
        %swap3A_349 = vector.shape_cast %swap3A_348 : vector<1x16xf32> to vector<16xf32>
        %swap3A_350 = vector.shape_cast %get3A_345 : vector<16xf32> to vector<1x16xf32>
        tpu.vector_store %arg12[%swap3A_346, %swap3A_347], %swap3A_350 {strides = array<i32>} : memref<784x16xf32, #tpu.memory_space<vmem>>, vector<1x16xf32>,
        %mul3A_351 = arith.constant 8 : i32
        %mul3A_352 = arith.muli %scan3A_309, %mul3A_351 : i32
        %add3A_353 = arith.constant 3 : i32
        %add3A_354 = arith.addi %mul3A_352, %add3A_353 : i32
        %mul3A_355 = arith.constant 16 : i32
        %mul3A_356 = arith.muli %add3A_354, %mul3A_355 : i32
        %get3A_357 = arith.index_cast %mul3A_356 : i32 to index
        %get3A_358 = tpu.vector_load %arg11[%get3A_357] {strides = array<i32>} : memref<12544xf32, #tpu.memory_space<vmem>>, vector<16xf32>,
        %get3A_359 = vector.shape_cast %get3A_358 : vector<16xf32> to vector<16xf32>
        %swap3A_360 = arith.index_cast %add3A_354 : i32 to index
        %swap3A_361 = arith.constant 0 : index
        %swap3A_362 = tpu.vector_load %arg12[%swap3A_360, %swap3A_361] {strides = array<i32>} : memref<784x16xf32, #tpu.memory_space<vmem>>, vector<1x16xf32>,
        %swap3A_363 = vector.shape_cast %swap3A_362 : vector<1x16xf32> to vector<16xf32>
        %swap3A_364 = vector.shape_cast %get3A_359 : vector<16xf32> to vector<1x16xf32>
        tpu.vector_store %arg12[%swap3A_360, %swap3A_361], %swap3A_364 {strides = array<i32>} : memref<784x16xf32, #tpu.memory_space<vmem>>, vector<1x16xf32>,
        %mul3A_365 = arith.constant 8 : i32
        %mul3A_366 = arith.muli %scan3A_309, %mul3A_365 : i32
        %add3A_367 = arith.constant 4 : i32
        %add3A_368 = arith.addi %mul3A_366, %add3A_367 : i32
        %mul3A_369 = arith.constant 16 : i32
        %mul3A_370 = arith.muli %add3A_368, %mul3A_369 : i32
        %get3A_371 = arith.index_cast %mul3A_370 : i32 to index
        %get3A_372 = tpu.vector_load %arg11[%get3A_371] {strides = array<i32>} : memref<12544xf32, #tpu.memory_space<vmem>>, vector<16xf32>,
        %get3A_373 = vector.shape_cast %get3A_372 : vector<16xf32> to vector<16xf32>
        %swap3A_374 = arith.index_cast %add3A_368 : i32 to index
        %swap3A_375 = arith.constant 0 : index
        %swap3A_376 = tpu.vector_load %arg12[%swap3A_374, %swap3A_375] {strides = array<i32>} : memref<784x16xf32, #tpu.memory_space<vmem>>, vector<1x16xf32>,
        %swap3A_377 = vector.shape_cast %swap3A_376 : vector<1x16xf32> to vector<16xf32>
        %swap3A_378 = vector.shape_cast %get3A_373 : vector<16xf32> to vector<1x16xf32>
        tpu.vector_store %arg12[%swap3A_374, %swap3A_375], %swap3A_378 {strides = array<i32>} : memref<784x16xf32, #tpu.memory_space<vmem>>, vector<1x16xf32>,
        %mul3A_379 = arith.constant 8 : i32
        %mul3A_380 = arith.muli %scan3A_309, %mul3A_379 : i32
        %add3A_381 = arith.constant 5 : i32
        %add3A_382 = arith.addi %mul3A_380, %add3A_381 : i32
        %mul3A_383 = arith.constant 16 : i32
        %mul3A_384 = arith.muli %add3A_382, %mul3A_383 : i32
        %get3A_385 = arith.index_cast %mul3A_384 : i32 to index
        %get3A_386 = tpu.vector_load %arg11[%get3A_385] {strides = array<i32>} : memref<12544xf32, #tpu.memory_space<vmem>>, vector<16xf32>,
        %get3A_387 = vector.shape_cast %get3A_386 : vector<16xf32> to vector<16xf32>
        %swap3A_388 = arith.index_cast %add3A_382 : i32 to index
        %swap3A_389 = arith.constant 0 : index
        %swap3A_390 = tpu.vector_load %arg12[%swap3A_388, %swap3A_389] {strides = array<i32>} : memref<784x16xf32, #tpu.memory_space<vmem>>, vector<1x16xf32>,
        %swap3A_391 = vector.shape_cast %swap3A_390 : vector<1x16xf32> to vector<16xf32>
        %swap3A_392 = vector.shape_cast %get3A_387 : vector<16xf32> to vector<1x16xf32>
        tpu.vector_store %arg12[%swap3A_388, %swap3A_389], %swap3A_392 {strides = array<i32>} : memref<784x16xf32, #tpu.memory_space<vmem>>, vector<1x16xf32>,
        %mul3A_393 = arith.constant 8 : i32
        %mul3A_394 = arith.muli %scan3A_309, %mul3A_393 : i32
        %add3A_395 = arith.constant 6 : i32
        %add3A_396 = arith.addi %mul3A_394, %add3A_395 : i32
        %mul3A_397 = arith.constant 16 : i32
        %mul3A_398 = arith.muli %add3A_396, %mul3A_397 : i32
        %get3A_399 = arith.index_cast %mul3A_398 : i32 to index
        %get3A_400 = tpu.vector_load %arg11[%get3A_399] {strides = array<i32>} : memref<12544xf32, #tpu.memory_space<vmem>>, vector<16xf32>,
        %get3A_401 = vector.shape_cast %get3A_400 : vector<16xf32> to vector<16xf32>
        %swap3A_402 = arith.index_cast %add3A_396 : i32 to index
        %swap3A_403 = arith.constant 0 : index
        %swap3A_404 = tpu.vector_load %arg12[%swap3A_402, %swap3A_403] {strides = array<i32>} : memref<784x16xf32, #tpu.memory_space<vmem>>, vector<1x16xf32>,
        %swap3A_405 = vector.shape_cast %swap3A_404 : vector<1x16xf32> to vector<16xf32>
        %swap3A_406 = vector.shape_cast %get3A_401 : vector<16xf32> to vector<1x16xf32>
        tpu.vector_store %arg12[%swap3A_402, %swap3A_403], %swap3A_406 {strides = array<i32>} : memref<784x16xf32, #tpu.memory_space<vmem>>, vector<1x16xf32>,
        %mul3A_407 = arith.constant 8 : i32
        %mul3A_408 = arith.muli %scan3A_309, %mul3A_407 : i32
        %add3A_409 = arith.constant 7 : i32
        %add3A_410 = arith.addi %mul3A_408, %add3A_409 : i32
        %mul3A_411 = arith.constant 16 : i32
        %mul3A_412 = arith.muli %add3A_410, %mul3A_411 : i32
        %get3A_413 = arith.index_cast %mul3A_412 : i32 to index
        %get3A_414 = tpu.vector_load %arg11[%get3A_413] {strides = array<i32>} : memref<12544xf32, #tpu.memory_space<vmem>>, vector<16xf32>,
        %get3A_415 = vector.shape_cast %get3A_414 : vector<16xf32> to vector<16xf32>
        %swap3A_416 = arith.index_cast %add3A_410 : i32 to index
        %swap3A_417 = arith.constant 0 : index
        %swap3A_418 = tpu.vector_load %arg12[%swap3A_416, %swap3A_417] {strides = array<i32>} : memref<784x16xf32, #tpu.memory_space<vmem>>, vector<1x16xf32>,
        %swap3A_419 = vector.shape_cast %swap3A_418 : vector<1x16xf32> to vector<16xf32>
        %swap3A_420 = vector.shape_cast %get3A_415 : vector<16xf32> to vector<1x16xf32>
        tpu.vector_store %arg12[%swap3A_416, %swap3A_417], %swap3A_420 {strides = array<i32>} : memref<784x16xf32, #tpu.memory_space<vmem>>, vector<1x16xf32>,
        %scan3A_421 = arith.constant 0 : i32
        scf.yield %scan3A_421 : i32
      }
      %scan3A_295 = arith.constant 98 : i32
      %mul3A_296 = arith.constant 3136 : i32
      %mul3A_297 = arith.muli %arg1, %mul3A_296 : i32
      %add3A_298 = arith.constant 2352 : i32
      %add3A_299 = arith.addi %mul3A_297, %add3A_298 : i32
      %dma_start3A_300 = tpu.memref_slice %arg4[%select_n3A_85, %add3A_299, %mul3A_103] : memref<8x50176x96xf32, #tpu.memory_space<hbm>> -> memref<1x784x16xf32, #tpu.memory_space<hbm>>
      %dma_start3A_301 = tpu.memref_squeeze %dma_start3A_300 : memref<1x784x16xf32, #tpu.memory_space<hbm>> -> memref<784x16xf32, #tpu.memory_space<hbm>>
      %dma_start3A_302 = tpu.memref_slice %arg4[%select_n3A_85, %add3A_299, %mul3A_103] : memref<8x50176x96xf32, #tpu.memory_space<hbm>> -> memref<1x784x16xf32, #tpu.memory_space<hbm>>
      %dma_start3A_303 = tpu.memref_squeeze %dma_start3A_302 : memref<1x784x16xf32, #tpu.memory_space<hbm>> -> memref<784x16xf32, #tpu.memory_space<hbm>>
      tpu.enqueue_dma source(%arg12 : memref<784x16xf32, #tpu.memory_space<vmem>>) target(%dma_start3A_303 : memref<784x16xf32, #tpu.memory_space<hbm>>) target_semaphore(%arg15 : memref<!tpu.dma_semaphore, #tpu.memory_space<semaphore_mem>>)
      %dma_wait3A_304 = tpu.memref_slice %arg4[%select_n3A_85, %add3A_299, %mul3A_103] : memref<8x50176x96xf32, #tpu.memory_space<hbm>> -> memref<1x784x16xf32, #tpu.memory_space<hbm>>
      %dma_wait3A_305 = tpu.memref_squeeze %dma_wait3A_304 : memref<1x784x16xf32, #tpu.memory_space<hbm>> -> memref<784x16xf32, #tpu.memory_space<hbm>>
      %dma_wait3A_306 = tpu.memref_slice %arg4[%select_n3A_85, %add3A_299, %mul3A_103] : memref<8x50176x96xf32, #tpu.memory_space<hbm>> -> memref<1x784x16xf32, #tpu.memory_space<hbm>>
      %dma_wait3A_307 = tpu.memref_squeeze %dma_wait3A_306 : memref<1x784x16xf32, #tpu.memory_space<hbm>> -> memref<784x16xf32, #tpu.memory_space<hbm>>
      tpu.wait_dma2 semaphore(%arg15 : memref<!tpu.dma_semaphore, #tpu.memory_space<semaphore_mem>>) src(%arg12 : memref<784x16xf32, #tpu.memory_space<vmem>>) dst(%dma_wait3A_307 : memref<784x16xf32, #tpu.memory_space<hbm>>)
      %scan3A_308 = arith.constant 0 : i32
      scf.yield %scan3A_308 : i32
    }
    %scan3A_56 = arith.constant 24 : i32
    return
  }
}

</mosaic_0001>

<sc_bundles>
// kernel: kernel.3.cloned.1.call-start
scs
__scs_entry_jumppad:
0x0: {  	(pc) =	sbr.rel $0x88, $3  }
0x1: {  	(tag) =	ssettag $0x0;
	lr =	simm.s32 $0x1  }
0x2: {  	[smem:$0x3F9F] =	sst lr;
	_ =	strace $0xD0000000  }
0x3: {  	_ = 	snop  }
0x4: {  	_ = 	snop  }
0x5: {  	_ = 	snop  }
0x6: {  	_ = 	snop  }
0x7: {  	_ = 	snop  }
__scs_overlays_trampoline_lowered:
0x8: {  	[smem:$0x3FAE] =	sst s0  }
0x9: {  	[smem:$0x3FAF] =	sst s1  }
0xa: {  	[smem:$0x3FB0] =	sst s2  }
0xb: {  	[smem:$0x3FB1] =	sst s3  }
0xc: {  	[smem:$0x3FB2] =	sst s4  }
0xd: {  	[smem:$0x3FB3] =	sst s5  }
0xe: {  	[smem:$0x3FB4] =	sst s6  }
0xf: {  	[smem:$0x3FB5] =	sst s7  }
0x10: {  	[smem:$0x3FB6] =	sst s8  }
0x11: {  	[smem:$0x3FB7] =	sst s9;
	s0 =	simm.s32 @!p0 $0x0  }
0x12: {  	s1 =	sld [smem:$0x3F9D];
	s0 =	simm.s32 @p0 $0x1  }
0x13: {  	[smem:$0x3FB8] =	sst s0;
	s0 =	simm.s32 @!p1 $0x0  }
0x14: {  	s2 =	sld [smem:$0x3F9C];
	s0 =	simm.s32 @p1 $0x1  }
0x15: {  	[smem:$0x3FB9] =	sst s0;
	s0 =	simm.s32 @!p2 $0x0  }
0x16: {  	s3 =	sld [smem:$0x3FDB];
	s0 =	simm.s32 @p2 $0x1  }
0x17: {  	s4 =	simm.s32 $0x1BF5;
	[smem:$0x3FBB] =	sst s0  }
0x18: {  	s0 =	sld [smem:$0x3F9E];
	_ =	swait.ge [sflag:s4], $0x0  }
0x19: {  	s7 =	sld [smem:$0x3F9F]  }
0x1a: {  	s8 =	sadd.s32 $0xFFFFE003, lr  }
0x1b: {  	s9 =	sadd.s32 $0xFFFFFEF7, lr;
	s5 =	simm.s32 $0xFFFFFFFF;
	p2 =	slt.u32 s8, $0xFFFFF086  }
0x1c: {  	p1 =	slt.u32 s9, $0xF7A;
	s5 =	simm.s32 @!p2 $0x0  }
0x1d: {  	s5 =	simm.s32 @p1 $0x1;
	p0 =	seq.s32 s7, s2  }
0x1e: {  	s7 =	smul.u32 @!p0 $0xF7A, s2;
	p2 =	seq.s32 @!p0 s5, $0x0  }
0x1f: {  	s9 =	smul.u32 $0xF7A, s1;
	s8 =	simm.s32 @!p0 $0x1BF5;
	p2 =	por !p2, p0  }
0x20: {  	[sflag:s8] =	ssyncset.s32 @!p0 $0xFFFFF086;
	s6 =	sadd.s32 @!p0 s3, s7;
	s7 =	simm.s32 @!p0 $0x108  }
0x21: {  	s3 =	sadd.s32 s3, s9;
	s6 =	sadd.s32 @!p0 $0x88, s6;
	s7 =	simm.s32 @p2 $0x1082  }
0x22: {  	[simem:s7], [sflag:s8] =	dma.local @!p0 [hbm:s6], $0xF7A  }
0x23: {  	s9 =	sor.u32 $0xD0000000, s2;
	s6 =	simm.s32 $0x108;
	_ =	swait.ge @!p0 [sflag:s8], $0x0  }
0x24: {  	s3 =	sadd.s32 $0x88, s3;
	s6 =	simm.s32 @!p1 $0x1082;
	[sflag:s4] =	ssyncset.s32 $0xFFFFF086  }
0x25: {  	[simem:s6], [sflag:s4] =	dma.local [hbm:s3], $0xF7A  }
0x26: {  	[smem:$0x3F9F] =	sst s1;
	(tag) =	ssettag s2;
	_ =	strace s9  }
0x27: {  	s1 =	sld [smem:$0x3FAF]  }
0x28: {  	s2 =	sld [smem:$0x3FB0]  }
0x29: {  	s4 =	sld [smem:$0x3FB2]  }
0x2a: {  	p0 =	seq.s32 s5, $0x0;
	s5 =	sld [smem:$0x3FB3]  }
0x2b: {  	s6 =	sld [smem:$0x3FB4]  }
0x2c: {  	s7 =	sld [smem:$0x3FB5]  }
0x2d: {  	s3 =	simm.s32 $0x108;
	s8 =	sld [smem:$0x3FB6]  }
0x2e: {  	s3 =	simm.s32 @!p0 $0x1082;
	s9 =	sld [smem:$0x3FB7]  }
0x2f: {  	lr =	sadd.s32 s0, s3;
	s0 =	sld [smem:$0x3FAE]  }
0x30: {  	s3 =	sld [smem:$0x3FB1]  }
0x31: {  	[smem:$0x3FBA] =	sst s10  }
0x32: {  	s10 =	sld [smem:$0x3FB8];
	_ =	sdelay $0x3  }
0x33: {  	p0 =	seq.s32 s10, $0x1;
	s10 =	sld [smem:$0x3FBA];
	_ =	sdelay $0x3  }
0x34: {  	[smem:$0x3FBA] =	sst s10  }
0x35: {  	s10 =	sld [smem:$0x3FB9];
	_ =	sdelay $0x3  }
0x36: {  	p1 =	seq.s32 s10, $0x1;
	s10 =	sld [smem:$0x3FBA];
	_ =	sdelay $0x3  }
0x37: {  	[smem:$0x3FBA] =	sst s10  }
0x38: {  	s10 =	sld [smem:$0x3FBB]  }
0x39: {  	_ = 	snop;
	(pc) =	sbr.ind lr, $3  }
0x3a: {  	_ = 	snop  }
0x3b: {  	_ = 	snop  }
0x3c: {  	p2 =	seq.s32 s10, $0x1;
	s10 =	sld [smem:$0x3FBA]  }
0x3d: {  	_ =	shalt  }
0x3e: {  	_ =	shalt  }
0x3f: {  	_ =	shalt  }
0x40: {  	_ =	shalt  }
0x41: {  	_ =	shalt  }
0x42: {  	_ =	shalt  }
0x43: {  	_ =	shalt  }
0x44: {  	_ =	shalt  }
0x45: {  	_ =	shalt  }
0x46: {  	_ =	shalt  }
0x47: {  	_ =	shalt  }
0x48: {  	_ =	shalt  }
0x49: {  	_ =	shalt  }
0x4a: {  	_ =	shalt  }
0x4b: {  	_ =	shalt  }
0x4c: {  	_ =	shalt  }
0x4d: {  	_ =	shalt  }
0x4e: {  	_ =	shalt  }
0x4f: {  	_ =	shalt  }
0x50: {  	_ =	shalt  }
0x51: {  	_ =	shalt  }
0x52: {  	_ =	shalt  }
0x53: {  	_ =	shalt  }
0x54: {  	_ =	shalt  }
0x55: {  	_ =	shalt  }
0x56: {  	_ =	shalt  }
0x57: {  	_ =	shalt  }
0x58: {  	_ =	shalt  }
0x59: {  	_ =	shalt  }
0x5a: {  	_ =	shalt  }
0x5b: {  	_ =	shalt  }
0x5c: {  	_ =	shalt  }
0x5d: {  	_ =	shalt  }
0x5e: {  	_ =	shalt  }
0x5f: {  	_ =	shalt  }
0x60: {  	_ =	shalt  }
0x61: {  	_ =	shalt  }
0x62: {  	_ =	shalt  }
0x63: {  	_ =	shalt  }
0x64: {  	_ =	shalt  }
0x65: {  	_ =	shalt  }
0x66: {  	_ =	shalt  }
0x67: {  	_ =	shalt  }
0x68: {  	_ =	shalt  }
0x69: {  	_ =	shalt  }
0x6a: {  	_ =	shalt  }
0x6b: {  	_ =	shalt  }
0x6c: {  	_ =	shalt  }
0x6d: {  	_ =	shalt  }
0x6e: {  	_ =	shalt  }
0x6f: {  	_ =	shalt  }
0x70: {  	_ =	shalt  }
0x71: {  	_ =	shalt  }
0x72: {  	_ =	shalt  }
0x73: {  	_ =	shalt  }
0x74: {  	_ =	shalt  }
0x75: {  	_ =	shalt  }
0x76: {  	_ =	shalt  }
0x77: {  	_ =	shalt  }
0x78: {  	_ =	shalt  }
0x79: {  	_ =	shalt  }
0x7a: {  	_ =	shalt  }
0x7b: {  	_ =	shalt  }
0x7c: {  	_ =	shalt  }
0x7d: {  	_ =	shalt  }
0x7e: {  	_ =	shalt  }
0x7f: {  	_ =	shalt  }
0x80: {  	_ =	shalt  }
0x81: {  	_ =	shalt  }
0x82: {  	_ =	shalt  }
0x83: {  	_ =	shalt  }
0x84: {  	_ =	shalt  }
0x85: {  	_ =	shalt  }
0x86: {  	_ =	shalt  }
0x87: {  	_ =	shalt  }
.Lfunc_end0:
.L_simem_size_0:
called_computation.1_lowered:
.L_overlay_start_0:
0x88: {  	s2 =	sld [smem:$0x3FD9]  }
0x89: {  	s3 =	sld [smem:$0x3FFE];
	_ =	sdelay $0x1  }
0x8a: {  	s1 =	srdreg.scid  }
0x8b: {  	s0 =	sand.u32 $0x1, s1  }
0x8c: {  	s17 =	sshll.u32 s0, $0xA;
	s2 =	sadd.s32 s3, s2  }
0x8d: {  	s2 =	sadd.s32 s2, s17  }
0x8e: {  	[smem:$0x3FC6] =	sst s2  }
0x8f: {  	_ = 	snop  }
0x90: {  	s2 =	sld [smem:$0x3FD0];
	(tm) =	ssettm $0x1  }
0x91: {  	s18 =	sld [smem:$0x3FFB];
	_ =	sdelay $0x3  }
0x92: {  	_ =	strace s18  }
0x93: {  	s3 =	sld [smem:$0x3FFC];
	_ =	sdelay $0x3  }
0x94: {  	_ =	strace s3  }
0x95: {  	s3 =	sld [smem:$0x3FFD];
	_ =	sdelay $0x3  }
0x96: {  	_ =	strace s3  }
0x97: {  	_ =	strace $0x8FFFFFFF  }
0x98: {  	s19 =	sld [smem:$0x3FDB];
	_ =	sdelay $0x1  }
0x99: {  	s4 =	simm.s32 $_scs_section_size  }
0x9a: {  	s5 =	simm.s32 $_size__tile_overlayer_lowered;
	s6 =	simm.s32 $_tile_overlayer_lowered  }
0x9b: {  	s22 =	simm.s32 $0x1BFF;
	s21 =	sshll.u32 s6, $0x1;
	s3 =	sadd.s32 s4, s19  }
0x9c: {  	s7 =	simm.s32 $0x0;
	s20 =	sshll.u32 s5, $0x1;
	s5 =	sadd.s32 s21, s3  }
0x9d: {  	[timem:s7], [sflag:s22] =	dma.local [hbm:s5], s20  }
0x9e: {  	_ =	swait.ge [sflag:s22], s20  }
0x9f: {  	s4 =	ssub.s32 $0x0, s20;
	[sflag:s22] =	ssyncset.done $0x0  }
0xa0: {  	[sflag:s22] =	ssyncadd.s32 s4;
	_ =	sdelay $0x1  }
0xa1: {  	s23 =	simm.s32 $0x1B8B  }
0xa2: {  	_ =	swait.ge [sflag:s23], $0x1  }
0xa3: {  	[sflag:s23] =	ssyncset.done $0x0  }
0xa4: {  	s25 =	simm.s32 $0x1B8E;
	s24 =	sld [smem:$0x3FFE];
	[sflag:s23] =	ssyncadd.s32 $0xFFFFFFFF  }
0xa5: {  	s26 =	simm.s32 $execute0_lowered;
	[smem:$0x3FD2] =	sst s25  }
0xa6: {  	s5 =	sshll.u32 s26, $0x1;
	_ =	strace $0x80000046;
	[dreg:$0x1] =	wrdreg $0xFFFFFFFF  }
0xa7: {  	s28 =	simm.s32 $_size_execute0_lowered;
	s3 =	sadd.s32 s3, s5;
	[dreg:$0x0] =	wrdreg $0x0  }
0xa8: {  	s5 =	sshll.u32 s28, $0x1;
	[dreg:$0x2] =	wrdreg s3  }
0xa9: {  	[dreg:$0x3] =	wrdreg s5  }
0xaa: {  	[dreg:$0x4] =	wrdreg $0xC0  }
0xab: {  	_ =	task [dreg:s7], $0x5FFFF  }
0xac: {  	[dreg:$0x1] =	wrdreg $0xFFFFFFFF  }
0xad: {  	[dreg:$0x0] =	wrdreg $0x60  }
0xae: {  	[dreg:$0x2] =	wrdreg s24  }
0xaf: {  	[dreg:$0x3] =	wrdreg s2  }
0xb0: {  	[dreg:$0x4] =	wrdreg $0x0  }
0xb1: {  	[dreg:$0x5] =	wrdreg $0x9  }
0xb2: {  	_ =	task.clear_ibuf [dreg:s7], $0x6FFFF;
	_ =	strace $0x90000046  }
0xb3: {  	s29 =	simm.s32 $0x9;
	_ =	strace $0x80000048  }
0xb4: {  	_ =	swait.ge [sflag:s29], $0x1  }
0xb5: {  	[sflag:s29] =	ssyncadd.s32 $0xFFFFFFFF  }
0xb6: {  	_ =	strace $0x90000048  }
0xb7: {  	_ =	sfence  }
0xb8: {  	s30 =	sld [smem:$0x0];
	_ =	sdelay $0x2  }
0xb9: {  	s31 =	sshll.u32 s1, $0xD;
	s1 =	sshrl.u32 s1, $0x2  }
0xba: {  	s3 =	sand.u32 $0x4000, s31;
	s1 =	sadd.s32 s1, s30  }
0xbb: {  	s0 =	sor.u32 s3, s0;
	s1 =	sshll.u32 s1, $0x11  }
0xbc: {  	s0 =	sor.u32 s1, s0  }
0xbd: {  	s0 =	sadd.s32 $0x8F2B, s0  }
0xbe: {  	[sflag:s0] =	ssyncadd.remote.s32 $0x1  }
0xbf: {  	_ =	sfence.sel $0xFFFF  }
0xc0: {  	[dreg:$0x0] =	wrdreg $0xFFFFFFFF;
	(pc) =	sbr.abs _section_cstart, $3  }
0xc1: {  	[dreg:$0x1] =	wrdreg $0xFFFFFFFF  }
0xc2: {  	_ =	task.clear_ibuf [dreg:s7], $0x2FFFF;
	_ =	strace $0x9FFFFFFF  }
0xc3: {  	(tm) =	ssettm $0x7FFFFFFF  }
tec
execute0_lowered:
.L_overlay_start_1:
0x0: {  	(tag) =	ssettag $0x1  }
0x1: {  	s0 =	rddreg [dreg:$0x0]  }
0x2: {  	s2 =	rddreg [dreg:$0x1]  }
0x3: {  	s7 =	rddreg [dreg:$0x2]  }
0x4: {  	s1 =	srdreg.scid;
	s6 =	stileid.u32  }
0x5: {  	s12 =	simm.s32 $0x0;
	s1 =	sand.u32 $0x1, s1;
	s8 =	smul.u32 $0x12600, s6  }
0x6: {  	[smem:$0x7FF] =	sst s12;
	s5 =	smul.u32 $0x31000, s6;
	s11 =	sadd.s32 $0x126800, s0  }
0x7: {  	s10 =	sadd.s32 $0x800, s0;
	_ =	strace $0x80000047;
	[dreg:$0x7] =	wrdreg s11  }
0x8: {  	s3 =	smul.u32 $0x498000, s1;
	s4 =	ssub.s32 $0x2, s1;
	[dreg:$0x6] =	wrdreg s10  }
0x9: {  	s16 =	sshrl.u32 s4, $0x1;
	[dreg:$0x5] =	wrdreg s8;
	s17 =	sshrl.u32 s5, $0x2  }
0xa: {  	s5 =	simm.s32 $0x19440;
	s0 =	ssub.s32 s4, s16;
	s3 =	sadd.s32 s8, s3  }
0xb: {  	s8 =	smul.u32 $0x18, s1;
	s9 =	sadd.s32 s17, s7;
	s4 =	simm.s32 $0x1  }
0xc: {  	s7 =	simm.s32 $0x3;
	s18 =	sshrl.u32 s3, $0x3;
	s19 =	sadd.s32 $0xC40, s9  }
0xd: {  	s20 =	sadd.s32 $0x1880, s9;
	s21 =	sadd.s32 $0x24C0, s9;
	[dreg:$0xa] =	wrdreg s19  }
0xe: {  	s15 =	sadd.s32 $0x3100, s9;
	s22 =	sadd.s32 $0x3D40, s9;
	[dreg:$0xb] =	wrdreg s20  }
0xf: {  	s23 =	sadd.s32 $0x4980, s9;
	s24 =	sadd.s32 $0x55C0, s9;
	[dreg:$0xc] =	wrdreg s21  }
0x10: {  	s25 =	sadd.s32 $0x6E40, s9;
	s26 =	sadd.s32 $0x7A80, s9;
	[dreg:$0xd] =	wrdreg s22  }
0x11: {  	s0 =	smax.u32 s0, $0x1;
	s28 =	sadd.s32 $0xAB80, s9;
	[dreg:$0xe] =	wrdreg s23  }
0x12: {  	s29 =	sadd.s32 $0xB7C0, s9;
	s3 =	sadd.s32 s11, s18;
	[dreg:$0xf] =	wrdreg s24  }
0x13: {  	s1 =	sadd.s32 s10, s18;
	s19 =	sadd.s32 $0x6200, s9;
	[dreg:$0x10] =	wrdreg s25  }
0x14: {  	[dreg:$0x12] =	wrdreg s26;
	s22 =	sadd.s32 $0x86C0, s9;
	s23 =	sadd.s32 $0x9300, s9  }
0x15: {  	s24 =	smul.u32 $0x49800, s6;
	[dreg:$0x11] =	wrdreg s0;
	s26 =	sadd.s32 $0x9F40, s9  }
0x16: {  	s10 =	simm.s32 $0x60;
	s11 =	simm.s32 $0x18800;
	s25 =	simm.s32 $0x2  }
0x17: {  	s6 =	simm.s32 $0x1C540;
	s21 =	simm.s32 $0x12600;
	[dreg:$0x8] =	wrdreg s3  }
0x18: {  	[dreg:$0x9] =	wrdreg s1;
	s1 =	simm.s32 $0x10;
	s3 =	simm.s32 $0x4  }
0x19: {  	v0 =	vimm.f32 $0.0e+00;
	v1 =	vlaneseq.u32;
	s30 =	sadd.s32 $0x12600, s24;
	s31 =	sadd.s32 $0x24C00, s24;
	s0 =	sadd.s32 $0x37200, s24  }
.LBB2_1:
0x1a: {  	[dreg:$0x4] =	wrdreg s12;
	s12 =	simm.s32 $0x40;
	s13 =	simm.s32 $0x0  }
.LBB2_2:
0x1b: {  	p0 =	sne.s32 s12, $0x30C0;
	[tilespmem:s13+$0x18800] =	vst v0;
	s13 =	smov.u32 s12;
	s12 =	sadd.s32 $0x40, s12  }
.Ltmp0:
0x1c: {  	(pc) =	sbr.rel @p0 .LBB2_2-.Ltmp0, $2  }
0x1d: {  	_ =	sdelay $0x2  }
0x1e: {  	s13 =	sshra.s32 s13, $0x2  }
0x1f: {  	[tilespmem:s13+$0x18800] =	vst v0;
	s12 =	rddreg [dreg:$0x8];
	s17 =	simm.s32 $0xC400  }
0x20: {  	[tilespmem:s17], [sflag:$0x2] =	stream.strided.gather [hbm4b:s12+s1], $0x3100, s10, s1, $0x38;
	[tilespmem:$0x1F640] =	vst v63  }
0x21: {  	s18 =	rddreg [dreg:$0x9];
	s20 =	simm.s32 $0xF500;
	s12 =	simm.s32 $0x0  }
0x22: {  	[tilespmem:s20], [sflag:$0x2] =	stream.strided.gather [hbm4b:s18+s1], $0x3100, s10, s1, $0x38;
	[tilespmem:$0x1F640] =	vst v63  }
.LBB2_4:
0x23: {  	[spmem:s9] =	stream.linear.scatter [tilespmem:s11], [sflag:$0x1], $0xC40, $0x38;
	[tilespmem:$0x1F640] =	vst v63  }
0x24: {  	s13 =	rddreg [dreg:$0xa]  }
0x25: {  	[spmem:s13] =	stream.linear.scatter [tilespmem:s11], [sflag:$0x1], $0xC40, $0x38;
	[tilespmem:$0x1F640] =	vst v63  }
0x26: {  	s18 =	rddreg [dreg:$0xb]  }
0x27: {  	[spmem:s18] =	stream.linear.scatter [tilespmem:s11], [sflag:$0x1], $0xC40, $0x38;
	[tilespmem:$0x1F640] =	vst v63  }
0x28: {  	s20 =	rddreg [dreg:$0xc]  }
0x29: {  	[spmem:s20] =	stream.linear.scatter [tilespmem:s11], [sflag:$0x1], $0xC40, $0x38;
	[tilespmem:$0x1F640] =	vst v63  }
0x2a: {  	_ = 	snop  }
0x2b: {  	[spmem:s15] =	stream.linear.scatter [tilespmem:s11], [sflag:$0x1], $0xC40, $0x38;
	[tilespmem:$0x1F640] =	vst v63  }
0x2c: {  	s14 =	rddreg [dreg:$0xd]  }
0x2d: {  	[spmem:s14] =	stream.linear.scatter [tilespmem:s11], [sflag:$0x1], $0xC40, $0x38;
	[tilespmem:$0x1F640] =	vst v63  }
0x2e: {  	s16 =	rddreg [dreg:$0xe]  }
0x2f: {  	[spmem:s16] =	stream.linear.scatter [tilespmem:s11], [sflag:$0x1], $0xC40, $0x38;
	[tilespmem:$0x1F640] =	vst v63  }
0x30: {  	s17 =	rddreg [dreg:$0xf]  }
0x31: {  	[spmem:s17] =	stream.linear.scatter [tilespmem:s11], [sflag:$0x1], $0xC40, $0x38;
	[tilespmem:$0x1F640] =	vst v63  }
0x32: {  	_ = 	snop  }
0x33: {  	[spmem:s19] =	stream.linear.scatter [tilespmem:s11], [sflag:$0x1], $0xC40, $0x38;
	[tilespmem:$0x1F640] =	vst v63  }
0x34: {  	s18 =	rddreg [dreg:$0x10]  }
0x35: {  	[spmem:s18] =	stream.linear.scatter [tilespmem:s11], [sflag:$0x1], $0xC40, $0x38;
	[tilespmem:$0x1F640] =	vst v63  }
0x36: {  	s20 =	rddreg [dreg:$0x12]  }
0x37: {  	[spmem:s20] =	stream.linear.scatter [tilespmem:s11], [sflag:$0x1], $0xC40, $0x38;
	[tilespmem:$0x1F640] =	vst v63  }
0x38: {  	_ = 	snop  }
0x39: {  	[spmem:s22] =	stream.linear.scatter [tilespmem:s11], [sflag:$0x1], $0xC40, $0x38;
	[tilespmem:$0x1F640] =	vst v63  }
0x3a: {  	_ = 	snop  }
0x3b: {  	[spmem:s23] =	stream.linear.scatter [tilespmem:s11], [sflag:$0x1], $0xC40, $0x38;
	[tilespmem:$0x1F640] =	vst v63  }
0x3c: {  	_ = 	snop  }
0x3d: {  	[spmem:s26] =	stream.linear.scatter [tilespmem:s11], [sflag:$0x1], $0xC40, $0x38;
	[tilespmem:$0x1F640] =	vst v63  }
0x3e: {  	_ = 	snop  }
0x3f: {  	[spmem:s28] =	stream.linear.scatter [tilespmem:s11], [sflag:$0x1], $0xC40, $0x38;
	[tilespmem:$0x1F640] =	vst v63  }
0x40: {  	_ = 	snop  }
0x41: {  	[spmem:s29] =	stream.linear.scatter [tilespmem:s11], [sflag:$0x1], $0xC40, $0x38;
	[tilespmem:$0x1F640] =	vst v63  }
0x42: {  	_ =	swait.ge [sflag:s25], $0x3100  }
0x43: {  	[sflag:s25] =	ssyncset.done $0x0  }
0x44: {  	[sflag:s25] =	ssyncadd.s32 $0xFFFFCF00  }
0x45: {  	_ =	swait.ge [sflag:s25], $0x3100  }
0x46: {  	[sflag:s25] =	ssyncset.done $0x0  }
0x47: {  	s13 =	simm.s32 $0x0;
	[sflag:s25] =	ssyncadd.s32 $0xFFFFCF00  }
0x48: {  	v2 =	vld [tilespmem:s13+$0xC470]  }
0x49: {  	v3 =	vld [tilespmem:s13+$0xC400]  }
0x4a: {  	v4 =	vld [tilespmem:s13+$0xC410]  }
0x4b: {  	v5 =	vld [tilespmem:s13+$0xC420]  }
0x4c: {  	v6 =	vld [tilespmem:s13+$0xC430]  }
0x4d: {  	v7 =	vld [tilespmem:s13+$0xC440]  }
0x4e: {  	v10 =	vld [tilespmem:s13+$0xC450]  }
0x4f: {  	v12 =	vld [tilespmem:s13+$0xC460];
	_ =	sdelay $0x1  }
0x50: {  	v8 =	vshrl.u32 v2, $0x5  }
0x51: {  	v9 =	vshrl.u32 v3, $0x5;
	v2 =	vshra.s32 v2, $0xF;
	v11 =	vshrl.u32 v4, $0x5  }
0x52: {  	v13 =	vshrl.u32 v5, $0x5;
	v14 =	vshrl.u32 v6, $0x5;
	v16 =	vshrl.u32 v7, $0x5  }
0x53: {  	v18 =	vshrl.u32 v10, $0x5;
	v19 =	vshrl.u32 v12, $0x5;
	v3 =	vshra.s32 v3, $0xF  }
0x54: {  	v4 =	vshra.s32 v4, $0xF;
	v5 =	vshra.s32 v5, $0xF;
	v6 =	vshra.s32 v6, $0xF  }
0x55: {  	v7 =	vshra.s32 v7, $0xF;
	v10 =	vshra.s32 v10, $0xF;
	v12 =	vshra.s32 v12, $0xF  }
0x56: {  	v8 =	vand.u32 $0x3FF, v8;
	v9 =	vand.u32 $0x3FF, v9;
	v11 =	vand.u32 $0x3FF, v11  }
0x57: {  	v13 =	vand.u32 $0x3FF, v13;
	v14 =	vand.u32 $0x3FF, v14;
	v16 =	vand.u32 $0x3FF, v16  }
0x58: {  	v15 =	vld [tilespmem:s13+$0xF500];
	v18 =	vand.u32 $0x3FF, v18;
	v19 =	vand.u32 $0x3FF, v19;
	v61 =	vmul.u32 $0x155, v3  }
0x59: {  	v17 =	vld [tilespmem:s13+$0xF510];
	v24 =	vmul.u32 $0x155, v5;
	v62 =	vmul.u32 $0x155, v7;
	v8 =	vadd.s32 v2, v8  }
0x5a: {  	v20 =	vld [tilespmem:s13+$0xF530];
	v2 =	vmul.u32 $0x155, v2;
	v9 =	vadd.s32 v3, v9;
	v8 =	vmul.u32 $0x2AB, v8  }
0x5b: {  	v21 =	vld [tilespmem:s13+$0xF540];
	v11 =	vadd.s32 v4, v11;
	v13 =	vadd.s32 v5, v13;
	v14 =	vadd.s32 v6, v14  }
0x5c: {  	v16 =	vadd.s32 v7, v16;
	v18 =	vadd.s32 v10, v18;
	v8 =	vshra.s32 v8, $0xB  }
0x5d: {  	[tilespmem:s13+$0x12600] =	vst v15;
	v6 =	vmul.u32 $0x155, v6;
	v3 =	vmul.u32 $0x155, v12;
	v2 =	vadd.s32 v2, v8;
	v8 =	vld [tilespmem:s13+$0xF520]  }
0x5e: {  	v59 =	vld [tilespmem:s13+$0xF550];
	[tilespmem:s13+$0x12610] =	vst v17;
	v9 =	vmul.u32 $0x2AB, v9;
	v11 =	vmul.u32 $0x2AB, v11;
	v13 =	vmul.u32 $0x2AB, v13  }
0x5f: {  	v22 =	vld [tilespmem:s13+$0xF560];
	[tilespmem:s13+$0x12630] =	vst v20;
	v14 =	vmul.u32 $0x2AB, v14;
	v16 =	vmul.u32 $0x2AB, v16;
	v2 =	vshll.u32 v2, $0x4  }
0x60: {  	v60 =	vld [tilespmem:s13+$0xF570];
	[tilespmem:s13+$0x12640] =	vst v21;
	v18 =	vmul.u32 $0x2AB, v18;
	v5 =	vshra.s32 v9, $0xB;
	v2 =	vor.u32 v1, v2  }
0x61: {  	v7 =	vshra.s32 v11, $0xB;
	v9 =	vshra.s32 v13, $0xB;
	[tilespmem:s13+$0x15770] =	vst v2;
	v2 =	vadd.s32 v12, v19  }
0x62: {  	v11 =	vshra.s32 v14, $0xB;
	v23 =	vmul.u32 $0x2AB, v2;
	[tilespmem:s13+$0x12620] =	vst v8;
	v8 =	vmul.u32 $0x155, v4  }
0x63: {  	[tilespmem:s13+$0x12650] =	vst v59;
	v63 =	vshra.s32 v16, $0xB;
	v2 =	vmul.u32 $0x155, v10;
	v10 =	vadd.s32 v61, v5  }
0x64: {  	[tilespmem:s13+$0x12660] =	vst v22;
	v4 =	vshra.s32 v18, $0xB;
	v5 =	vadd.s32 v8, v7;
	v7 =	vshra.s32 v23, $0xB  }
0x65: {  	s14 =	simm.s32 $0x80;
	s16 =	simm.s32 $0x400;
	[tilespmem:s13+$0x12670] =	vst v60;
	v8 =	vadd.s32 v24, v9;
	v9 =	vadd.s32 v6, v11;
	v6 =	vadd.s32 v62, v63  }
.LBB2_5:
0x66: {  	p0 =	sne.s32 s16, $0xC200;
	v11 =	vld [tilespmem:s14+$0xC470];
	v10 =	vshll.u32 v10, $0x4;
	v2 =	vadd.s32 v2, v4;
	v3 =	vadd.s32 v3, v7  }
0x67: {  	v5 =	vshll.u32 v5, $0x4;
	v7 =	vshll.u32 v8, $0x4;
	v8 =	vshll.u32 v9, $0x4;
	v4 =	vld [tilespmem:s14+$0xC400]  }
0x68: {  	v6 =	vshll.u32 v6, $0x4;
	v2 =	vshll.u32 v2, $0x4;
	v3 =	vshll.u32 v3, $0x4;
	v9 =	vld [tilespmem:s14+$0xC410]  }
0x69: {  	v10 =	vor.u32 v1, v10;
	v5 =	vor.u32 v1, v5;
	v7 =	vor.u32 v1, v7;
	v12 =	vld [tilespmem:s14+$0xC420]  }
0x6a: {  	v8 =	vor.u32 v1, v8;
	v6 =	vor.u32 v1, v6;
	v2 =	vor.u32 v1, v2;
	v13 =	vld [tilespmem:s14+$0xC430];
	[tilespmem:s13+$0x15700] =	vst v10  }
0x6b: {  	v3 =	vor.u32 v1, v3;
	v10 =	vld [tilespmem:s14+$0xC440];
	v14 =	vshrl.u32 v11, $0x5;
	[tilespmem:s13+$0x15710] =	vst v5  }
0x6c: {  	v11 =	vshra.s32 v11, $0xF;
	v5 =	vshrl.u32 v4, $0x5;
	v15 =	vld [tilespmem:s14+$0xC450];
	v14 =	vand.u32 $0x3FF, v14;
	[tilespmem:s13+$0x15720] =	vst v7  }
0x6d: {  	v5 =	vand.u32 $0x3FF, v5;
	v7 =	vshrl.u32 v9, $0x5;
	v16 =	vld [tilespmem:s14+$0xC460];
	v14 =	vadd.s32 v11, v14;
	[tilespmem:s13+$0x15730] =	vst v8  }
0x6e: {  	v8 =	vld [tilespmem:s14+$0xF500];
	v7 =	vand.u32 $0x3FF, v7;
	v17 =	vshrl.u32 v12, $0x5;
	v14 =	vmul.u32 $0x2AB, v14;
	[tilespmem:s13+$0x15740] =	vst v6  }
0x6f: {  	v11 =	vmul.u32 $0x155, v11;
	v6 =	vld [tilespmem:s14+$0xF510];
	v17 =	vand.u32 $0x3FF, v17;
	v18 =	vshrl.u32 v13, $0x5;
	[tilespmem:s13+$0x15750] =	vst v2  }
0x70: {  	v2 =	vld [tilespmem:s14+$0xF520];
	v18 =	vand.u32 $0x3FF, v18;
	v19 =	vshrl.u32 v10, $0x5;
	v14 =	vshra.s32 v14, $0xB;
	[tilespmem:s13+$0x15760] =	vst v3;
	s13 =	smov.u32 s14  }
0x71: {  	v3 =	vld [tilespmem:s13+$0xF530];
	v19 =	vand.u32 $0x3FF, v19;
	v20 =	vshrl.u32 v15, $0x5;
	v11 =	vadd.s32 v11, v14  }
0x72: {  	v14 =	vld [tilespmem:s13+$0xF540];
	v20 =	vand.u32 $0x3FF, v20;
	v21 =	vshrl.u32 v16, $0x5;
	v11 =	vshll.u32 v11, $0x4  }
0x73: {  	v4 =	vshra.s32 v4, $0xF;
	[tilespmem:s13+$0x12600] =	vst v8;
	v8 =	vld [tilespmem:s13+$0xF550];
	v21 =	vand.u32 $0x3FF, v21;
	v11 =	vor.u32 v1, v11  }
0x74: {  	v9 =	vshra.s32 v9, $0xF;
	v12 =	vshra.s32 v12, $0xF;
	v13 =	vshra.s32 v13, $0xF;
	v22 =	vld [tilespmem:s13+$0xF560];
	[tilespmem:s13+$0x15770] =	vst v11  }
0x75: {  	v11 =	vshra.s32 v16, $0xF;
	[tilespmem:s13+$0x12610] =	vst v6;
	v6 =	vshra.s32 v10, $0xF;
	v10 =	vshra.s32 v15, $0xF;
	v15 =	vld [tilespmem:s13+$0xF570]  }
0x76: {  	v5 =	vadd.s32 v4, v5;
	v7 =	vadd.s32 v9, v7;
	v16 =	vadd.s32 v12, v17;
	[tilespmem:s13+$0x12620] =	vst v2  }
0x77: {  	v2 =	vadd.s32 v13, v18;
	v17 =	vadd.s32 v10, v20;
	[tilespmem:s13+$0x12630] =	vst v3;
	v3 =	vadd.s32 v6, v19  }
0x78: {  	v5 =	vmul.u32 $0x2AB, v5;
	v7 =	vmul.u32 $0x2AB, v7;
	[tilespmem:s13+$0x12640] =	vst v14;
	v14 =	vadd.s32 v11, v21  }
0x79: {  	v16 =	vmul.u32 $0x2AB, v16;
	v18 =	vmul.u32 $0x2AB, v2;
	v19 =	vmul.u32 $0x2AB, v3;
	[tilespmem:s13+$0x12650] =	vst v8  }
0x7a: {  	v8 =	vmul.u32 $0x155, v4;
	v4 =	vmul.u32 $0x2AB, v17;
	v14 =	vmul.u32 $0x2AB, v14;
	[tilespmem:s13+$0x12660] =	vst v22  }
0x7b: {  	v9 =	vmul.u32 $0x155, v9;
	v12 =	vmul.u32 $0x155, v12;
	v13 =	vmul.u32 $0x155, v13;
	[tilespmem:s13+$0x12670] =	vst v15  }
.Ltmp1:
0x7c: {  	v6 =	vmul.u32 $0x155, v6;
	v2 =	vmul.u32 $0x155, v10;
	v3 =	vmul.u32 $0x155, v11;
	(pc) =	sbr.rel @p0 .LBB2_5-.Ltmp1, $4  }
0x7d: {  	v5 =	vshra.s32 v5, $0xB;
	v7 =	vshra.s32 v7, $0xB;
	v11 =	vshra.s32 v16, $0xB  }
0x7e: {  	v16 =	vshra.s32 v19, $0xB;
	v15 =	vshra.s32 v18, $0xB;
	v4 =	vshra.s32 v4, $0xB  }
0x7f: {  	v10 =	vadd.s32 v8, v5;
	v5 =	vadd.s32 v9, v7;
	v7 =	vshra.s32 v14, $0xB  }
0x80: {  	s14 =	sshra.s32 s16, $0x2;
	s16 =	sadd.s32 $0x200, s16;
	v8 =	vadd.s32 v12, v11;
	v6 =	vadd.s32 v6, v16;
	v9 =	vadd.s32 v13, v15  }
0x81: {  	v11 =	vld [tilespmem:s14+$0xC470]  }
0x82: {  	v12 =	vld [tilespmem:s14+$0xC400]  }
0x83: {  	v13 =	vld [tilespmem:s14+$0xC410];
	v10 =	vshll.u32 v10, $0x4;
	v5 =	vshll.u32 v5, $0x4;
	v2 =	vadd.s32 v2, v4  }
0x84: {  	v14 =	vld [tilespmem:s14+$0xC420];
	v3 =	vadd.s32 v3, v7;
	v7 =	vshll.u32 v8, $0x4;
	v8 =	vshll.u32 v9, $0x4  }
0x85: {  	v6 =	vshll.u32 v6, $0x4;
	v10 =	vor.u32 v1, v10;
	v4 =	vor.u32 v1, v5  }
0x86: {  	v15 =	vld [tilespmem:s14+$0xC430];
	v2 =	vshll.u32 v2, $0x4;
	v3 =	vshll.u32 v3, $0x4;
	v8 =	vor.u32 v1, v8;
	[tilespmem:s13+$0x15700] =	vst v10  }
0x87: {  	v6 =	vor.u32 v1, v6;
	v2 =	vor.u32 v1, v2;
	v5 =	vld [tilespmem:s14+$0xC440];
	[tilespmem:s13+$0x15710] =	vst v4;
	v4 =	vor.u32 v1, v7  }
0x88: {  	v3 =	vor.u32 v1, v3;
	v7 =	vld [tilespmem:s14+$0xC450];
	[tilespmem:s13+$0x15720] =	vst v4;
	v4 =	vshrl.u32 v11, $0x5;
	v54 =	vshrl.u32 v12, $0x5  }
0x89: {  	v11 =	vshra.s32 v11, $0xF;
	v16 =	vshrl.u32 v13, $0x5;
	v17 =	vshrl.u32 v14, $0x5  }
0x8a: {  	v12 =	vshra.s32 v12, $0xF;
	v13 =	vshra.s32 v13, $0xF;
	v14 =	vshra.s32 v14, $0xF  }
0x8b: {  	v10 =	vld [tilespmem:s14+$0xC460];
	[tilespmem:s13+$0x15730] =	vst v8;
	v4 =	vand.u32 $0x3FF, v4;
	v8 =	vand.u32 $0x3FF, v54;
	v16 =	vand.u32 $0x3FF, v16  }
0x8c: {  	v55 =	vld [tilespmem:s14+$0xF500];
	[tilespmem:s13+$0x15740] =	vst v6;
	v6 =	vshrl.u32 v15, $0x5;
	v17 =	vand.u32 $0x3FF, v17;
	v15 =	vshra.s32 v15, $0xF  }
0x8d: {  	v4 =	vadd.s32 v11, v4;
	v11 =	vmul.u32 $0x155, v11;
	v6 =	vand.u32 $0x3FF, v6  }
0x8e: {  	v8 =	vadd.s32 v12, v8;
	v16 =	vadd.s32 v13, v16;
	v17 =	vadd.s32 v14, v17  }
0x8f: {  	v12 =	vmul.u32 $0x155, v12;
	v13 =	vmul.u32 $0x155, v13;
	v14 =	vmul.u32 $0x155, v14  }
0x90: {  	v18 =	vld [tilespmem:s14+$0xF510];
	[tilespmem:s13+$0x15750] =	vst v2;
	v4 =	vmul.u32 $0x2AB, v4;
	v2 =	vshrl.u32 v5, $0x5;
	v5 =	vshra.s32 v5, $0xF  }
0x91: {  	v6 =	vadd.s32 v15, v6;
	v8 =	vmul.u32 $0x2AB, v8;
	v60 =	vmul.u32 $0x2AB, v17  }
0x92: {  	v20 =	vld [tilespmem:s14+$0xF520];
	v15 =	vmul.u32 $0x155, v15;
	v19 =	vshrl.u32 v7, $0x5;
	v2 =	vand.u32 $0x3FF, v2  }
0x93: {  	[tilespmem:s13+$0x15760] =	vst v3;
	v7 =	vshra.s32 v7, $0xF;
	v6 =	vmul.u32 $0x2AB, v6;
	v4 =	vshra.s32 v4, $0xB  }
0x94: {  	v57 =	vld [tilespmem:s14+$0xF530];
	v56 =	vand.u32 $0x3FF, v19;
	v3 =	vshrl.u32 v10, $0x5;
	v58 =	vshra.s32 v10, $0xF  }
0x95: {  	v21 =	vld [tilespmem:s14+$0xF540];
	v2 =	vadd.s32 v5, v2;
	v5 =	vmul.u32 $0x155, v5;
	v4 =	vadd.s32 v11, v4;
	[tilespmem:s14+$0x12600] =	vst v55  }
0x96: {  	v59 =	vld [tilespmem:s14+$0xF550];
	v8 =	vshra.s32 v8, $0xB;
	v3 =	vand.u32 $0x3FF, v3;
	v4 =	vshll.u32 v4, $0x4;
	[tilespmem:s14+$0x12610] =	vst v18  }
0x97: {  	v22 =	vld [tilespmem:s14+$0xF560];
	v11 =	vadd.s32 v7, v56;
	v2 =	vmul.u32 $0x2AB, v2;
	v4 =	vor.u32 v1, v4;
	[tilespmem:s14+$0x12620] =	vst v20  }
0x98: {  	v61 =	vld [tilespmem:s14+$0xF570];
	v7 =	vmul.u32 $0x155, v7;
	v9 =	vmul.u32 $0x155, v58;
	v6 =	vshra.s32 v6, $0xB;
	[tilespmem:s14+$0x15770] =	vst v4  }
0x99: {  	v8 =	vadd.s32 v12, v8;
	v3 =	vadd.s32 v58, v3;
	v11 =	vmul.u32 $0x2AB, v11;
	[tilespmem:s14+$0x12630] =	vst v57  }
0x9a: {  	v8 =	vshll.u32 v8, $0x4;
	v6 =	vadd.s32 v15, v6;
	v3 =	vmul.u32 $0x2AB, v3;
	[tilespmem:s14+$0x12640] =	vst v21  }
0x9b: {  	v2 =	vshra.s32 v2, $0xB;
	v8 =	vor.u32 v1, v8;
	v4 =	vmul.u32 $0x2AB, v16;
	[tilespmem:s14+$0x12650] =	vst v59  }
0x9c: {  	v16 =	vshra.s32 v60, $0xB;
	v62 =	vshra.s32 v11, $0xB;
	[tilespmem:s14+$0x12660] =	vst v22;
	v2 =	vadd.s32 v5, v2  }
0x9d: {  	[tilespmem:s14+$0x12670] =	vst v61;
	v5 =	vshll.u32 v6, $0x4;
	v3 =	vshra.s32 v3, $0xB;
	v4 =	vshra.s32 v4, $0xB  }
0x9e: {  	[tilespmem:s14+$0x15700] =	vst v8;
	v2 =	vshll.u32 v2, $0x4;
	v5 =	vor.u32 v1, v5;
	v4 =	vadd.s32 v13, v4  }
0x9f: {  	v63 =	vadd.s32 v14, v16;
	v2 =	vor.u32 v1, v2;
	[tilespmem:s14+$0x15730] =	vst v5;
	v4 =	vshll.u32 v4, $0x4  }
0xa0: {  	v11 =	vshll.u32 v63, $0x4;
	v3 =	vadd.s32 v9, v3;
	[tilespmem:s14+$0x15740] =	vst v2;
	v4 =	vor.u32 v1, v4  }
0xa1: {  	v6 =	vor.u32 v1, v11;
	v3 =	vshll.u32 v3, $0x4;
	[tilespmem:s14+$0x15710] =	vst v4;
	v4 =	vadd.s32 v7, v62  }
0xa2: {  	[tilespmem:s14+$0x15720] =	vst v6;
	v2 =	vor.u32 v1, v3;
	v4 =	vshll.u32 v4, $0x4  }
0xa3: {  	[tilespmem:s14+$0x15760] =	vst v2;
	v4 =	vor.u32 v1, v4  }
0xa4: {  	[tilespmem:s14+$0x15750] =	vst v4  }
0xa5: {  	_ =	swait.ge [sflag:s4], $0xC40  }
0xa6: {  	[sflag:s4] =	ssyncset.done $0x0  }
0xa7: {  	[sflag:s4] =	ssyncadd.s32 $0xFFFFF3C0  }
0xa8: {  	_ =	swait.ge [sflag:s4], $0xC40  }
0xa9: {  	[sflag:s4] =	ssyncset.done $0x0  }
0xaa: {  	[sflag:s4] =	ssyncadd.s32 $0xFFFFF3C0  }
0xab: {  	_ =	swait.ge [sflag:s4], $0xC40  }
0xac: {  	[sflag:s4] =	ssyncset.done $0x0  }
0xad: {  	[sflag:s4] =	ssyncadd.s32 $0xFFFFF3C0  }
0xae: {  	_ =	swait.ge [sflag:s4], $0xC40  }
0xaf: {  	[sflag:s4] =	ssyncset.done $0x0  }
0xb0: {  	[sflag:s4] =	ssyncadd.s32 $0xFFFFF3C0  }
0xb1: {  	_ =	swait.ge [sflag:s4], $0xC40  }
0xb2: {  	[sflag:s4] =	ssyncset.done $0x0  }
0xb3: {  	[sflag:s4] =	ssyncadd.s32 $0xFFFFF3C0  }
0xb4: {  	_ =	swait.ge [sflag:s4], $0xC40  }
0xb5: {  	[sflag:s4] =	ssyncset.done $0x0  }
0xb6: {  	[sflag:s4] =	ssyncadd.s32 $0xFFFFF3C0  }
0xb7: {  	_ =	swait.ge [sflag:s4], $0xC40  }
0xb8: {  	[sflag:s4] =	ssyncset.done $0x0  }
0xb9: {  	[sflag:s4] =	ssyncadd.s32 $0xFFFFF3C0  }
0xba: {  	_ =	swait.ge [sflag:s4], $0xC40  }
0xbb: {  	[sflag:s4] =	ssyncset.done $0x0  }
0xbc: {  	[sflag:s4] =	ssyncadd.s32 $0xFFFFF3C0  }
0xbd: {  	_ =	swait.ge [sflag:s4], $0xC40  }
0xbe: {  	[sflag:s4] =	ssyncset.done $0x0  }
0xbf: {  	[sflag:s4] =	ssyncadd.s32 $0xFFFFF3C0  }
0xc0: {  	_ =	swait.ge [sflag:s4], $0xC40  }
0xc1: {  	[sflag:s4] =	ssyncset.done $0x0  }
0xc2: {  	[sflag:s4] =	ssyncadd.s32 $0xFFFFF3C0  }
0xc3: {  	_ =	swait.ge [sflag:s4], $0xC40  }
0xc4: {  	[sflag:s4] =	ssyncset.done $0x0  }
0xc5: {  	[sflag:s4] =	ssyncadd.s32 $0xFFFFF3C0  }
0xc6: {  	_ =	swait.ge [sflag:s4], $0xC40  }
0xc7: {  	[sflag:s4] =	ssyncset.done $0x0  }
0xc8: {  	[sflag:s4] =	ssyncadd.s32 $0xFFFFF3C0  }
0xc9: {  	_ =	swait.ge [sflag:s4], $0xC40  }
0xca: {  	[sflag:s4] =	ssyncset.done $0x0  }
0xcb: {  	[sflag:s4] =	ssyncadd.s32 $0xFFFFF3C0  }
0xcc: {  	_ =	swait.ge [sflag:s4], $0xC40  }
0xcd: {  	[sflag:s4] =	ssyncset.done $0x0  }
0xce: {  	[sflag:s4] =	ssyncadd.s32 $0xFFFFF3C0  }
0xcf: {  	_ =	swait.ge [sflag:s4], $0xC40  }
0xd0: {  	[sflag:s4] =	ssyncset.done $0x0  }
0xd1: {  	[sflag:s4] =	ssyncadd.s32 $0xFFFFF3C0  }
0xd2: {  	p0 =	seq.s32 s12, $0x17;
	s13 =	sadd.s32 $0x1, s12;
	_ =	swait.ge [sflag:s4], $0xC40  }
0xd3: {  	s14 =	sadd.s32 @!p0 s8, s13;
	[sflag:s4] =	ssyncset.done $0x0  }
0xd4: {  	s16 =	smulhi.u32 @!p0 $0xAAAAAAAB, s14;
	[sflag:s4] =	ssyncadd.s32 $0xFFFFF3C0  }
0xd5: {  	s18 =	simm.s32 $0x3100;
	[bflag:$0x0] =	sbarrier.arrive $0xFFFF  }
0xd6: {  	s20 =	simm.s32 $0x15700;
	s16 =	sshrl.u32 @!p0 s16, $0x2;
	s17 =	rddreg [dreg:$0x2]  }
0xd7: {  	[spmem:s17] =	stream.indirect.scatter.add.f32 [tilespmem:s21], [sflag:$0x4], $0x1, s20, s18, $0xb8;
	[tilespmem:$0x1F640] =	vst v63  }
0xd8: {  	s17 =	smul.u32 @!p0 $0x6, s16  }
0xd9: {  	s16 =	smul.u32 @!p0 $0x126000, s16;
	_ =	swait.ge [sflag:s3], $0x3100  }
0xda: {  	s14 =	ssub.s32 @!p0 s14, s17;
	s17 =	rddreg [dreg:$0x5];
	[sflag:s3] =	ssyncset.done $0x0  }
0xdb: {  	s16 =	sadd.s32 @!p0 s17, s16;
	s14 =	sshll.u32 @!p0 s14, $0x4;
	[sflag:s3] =	ssyncadd.s32 $0xFFFFCF00  }
0xdc: {  	s14 =	sor.u32 @!p0 s14, s16;
	[bflag:$0x0] =	sbarrier.arrive $0xFFFF  }
0xdd: {  	s18 =	simm.s32 @!p0 $0x60;
	s14 =	sshrl.u32 @!p0 s14, $0x3;
	s16 =	rddreg [dreg:$0x7]  }
0xde: {  	s20 =	simm.s32 @!p0 $0xC400;
	s17 =	simm.s32 @!p0 $0x10;
	s16 =	sadd.s32 @!p0 s16, s14  }
0xdf: {  	[tilespmem:s20], [sflag:$0x2] =	stream.strided.gather @!p0 [hbm4b:s16+s17], $0x3100, s18, s17, $0x38;
	[tilespmem:$0x1F640] =	vst v63  }
0xe0: {  	s16 =	rddreg [dreg:$0x6]  }
0xe1: {  	s14 =	sadd.s32 @!p0 s16, s14;
	s16 =	simm.s32 @!p0 $0xF500  }
0xe2: {  	[tilespmem:s16], [sflag:$0x2] =	stream.strided.gather @!p0 [hbm4b:s14+s17], $0x3100, s18, s17, $0x38;
	[tilespmem:$0x1F640] =	vst v63  }
0xe3: {  	_ = 	snop  }
0xe4: {  	[tilespmem:s5], [sflag:$0x4] =	stream.linear.gather [spmem:s9], $0x3100, $0x38;
	[tilespmem:$0x1F640] =	vst v63  }
0xe5: {  	_ =	swait.ge [sflag:s3], $0x3100  }
0xe6: {  	[sflag:s3] =	ssyncset.done $0x0  }
0xe7: {  	s14 =	simm.s32 $0x0;
	[sflag:s3] =	ssyncadd.s32 $0xFFFFCF00  }
0xe8: {  	s17 =	sadd.s32 s8, s12;
	v5 =	vld [tilespmem:s14+$0x194B0]  }
0xe9: {  	s18 =	smulhi.u32 $0xAAAAAAAB, s17;
	v6 =	vld [tilespmem:s14+$0x19440]  }
0xea: {  	v7 =	vld [tilespmem:s14+$0x19450]  }
0xeb: {  	s16 =	sshrl.u32 s18, $0x2;
	v2 =	vld [tilespmem:s14+$0x19460]  }
0xec: {  	s20 =	smul.u32 $0x6, s16;
	v3 =	vld [tilespmem:s14+$0x19470]  }
0xed: {  	v4 =	vld [tilespmem:s14+$0x19480];
	[tilespmem:s14+$0x1C5B0] =	vst v5  }
0xee: {  	s12 =	ssub.s32 s17, s20;
	[tilespmem:s14+$0x1C540] =	vst v6;
	v5 =	vld [tilespmem:s14+$0x19490]  }
0xef: {  	s18 =	simm.s32 $0x400;
	s17 =	simm.s32 $0x80;
	s12 =	sshll.u32 s12, $0x4;
	[tilespmem:s14+$0x1C550] =	vst v7;
	v6 =	vld [tilespmem:s14+$0x194A0]  }
.LBB2_7:
0xf0: {  	p0 =	sne.s32 s18, $0xC200;
	v7 =	vld [tilespmem:s17+$0x194B0];
	[tilespmem:s14+$0x1C560] =	vst v2  }
0xf1: {  	v8 =	vld [tilespmem:s17+$0x19440];
	[tilespmem:s14+$0x1C570] =	vst v3  }
0xf2: {  	v9 =	vld [tilespmem:s17+$0x19450];
	[tilespmem:s14+$0x1C580] =	vst v4  }
.Ltmp2:
0xf3: {  	v2 =	vld [tilespmem:s17+$0x19460];
	[tilespmem:s14+$0x1C590] =	vst v5;
	(pc) =	sbr.rel @p0 .LBB2_7-.Ltmp2, $4  }
0xf4: {  	v3 =	vld [tilespmem:s17+$0x19470];
	[tilespmem:s14+$0x1C5A0] =	vst v6;
	s14 =	smov.u32 s17  }
0xf5: {  	v4 =	vld [tilespmem:s14+$0x19480];
	[tilespmem:s14+$0x1C5B0] =	vst v7  }
0xf6: {  	[tilespmem:s14+$0x1C540] =	vst v8;
	v5 =	vld [tilespmem:s14+$0x19490]  }
0xf7: {  	s17 =	sshra.s32 s18, $0x2;
	s18 =	sadd.s32 $0x200, s18;
	[tilespmem:s14+$0x1C550] =	vst v9;
	v6 =	vld [tilespmem:s14+$0x194A0]  }
0xf8: {  	v7 =	vld [tilespmem:s17+$0x194B0];
	[tilespmem:s14+$0x1C560] =	vst v2  }
0xf9: {  	v2 =	vld [tilespmem:s17+$0x19440];
	[tilespmem:s14+$0x1C570] =	vst v3  }
0xfa: {  	v3 =	vld [tilespmem:s17+$0x19450];
	[tilespmem:s14+$0x1C580] =	vst v4  }
0xfb: {  	v4 =	vld [tilespmem:s17+$0x19460];
	[tilespmem:s14+$0x1C590] =	vst v5  }
0xfc: {  	v5 =	vld [tilespmem:s17+$0x19470];
	[tilespmem:s14+$0x1C5A0] =	vst v6  }
0xfd: {  	v6 =	vld [tilespmem:s17+$0x19480];
	[tilespmem:s17+$0x1C5B0] =	vst v7  }
0xfe: {  	[tilespmem:s17+$0x1C540] =	vst v2;
	v2 =	vld [tilespmem:s17+$0x19490]  }
0xff: {  	s14 =	smul.u32 $0x498000, s16;
	[tilespmem:s17+$0x1C550] =	vst v3;
	v3 =	vld [tilespmem:s17+$0x194A0]  }
0x100: {  	[tilespmem:s17+$0x1C560] =	vst v4  }
0x101: {  	s16 =	sadd.s32 s24, s14;
	[tilespmem:s17+$0x1C570] =	vst v5  }
0x102: {  	s16 =	sor.u32 s12, s16;
	[tilespmem:s17+$0x1C580] =	vst v6  }
0x103: {  	s16 =	sshrl.u32 s16, $0x3;
	[tilespmem:s17+$0x1C590] =	vst v2  }
0x104: {  	s16 =	sadd.s32 s2, s16;
	[tilespmem:s17+$0x1C5A0] =	vst v3  }
0x105: {  	[hbm4b:s16+s1] =	stream.strided.scatter [tilespmem:s6], [sflag:$0x3], $0x3100, s10, s1, $0x38;
	[tilespmem:$0x1F640] =	vst v63  }
0x106: {  	_ = 	snop  }
0x107: {  	[tilespmem:s5], [sflag:$0x4] =	stream.linear.gather [spmem:s15], $0x3100, $0x38;
	[tilespmem:$0x1F640] =	vst v63  }
0x108: {  	_ =	swait.ge [sflag:s3], $0x3100  }
0x109: {  	[sflag:s3] =	ssyncset.done $0x0  }
0x10a: {  	[sflag:s3] =	ssyncadd.s32 $0xFFFFCF00  }
0x10b: {  	_ =	swait.ge [sflag:s7], $0x3100  }
0x10c: {  	[sflag:s7] =	ssyncset.done $0x0  }
0x10d: {  	s16 =	simm.s32 $0x0;
	[sflag:s7] =	ssyncadd.s32 $0xFFFFCF00  }
0x10e: {  	v5 =	vld [tilespmem:s16+$0x194B0]  }
0x10f: {  	v6 =	vld [tilespmem:s16+$0x19440]  }
0x110: {  	v7 =	vld [tilespmem:s16+$0x19450]  }
0x111: {  	v4 =	vld [tilespmem:s16+$0x19460]  }
0x112: {  	v2 =	vld [tilespmem:s16+$0x19470]  }
0x113: {  	v3 =	vld [tilespmem:s16+$0x19480];
	[tilespmem:s16+$0x1C5B0] =	vst v5  }
0x114: {  	[tilespmem:s16+$0x1C540] =	vst v6;
	v5 =	vld [tilespmem:s16+$0x19490]  }
0x115: {  	s18 =	simm.s32 $0x400;
	s17 =	simm.s32 $0x80;
	[tilespmem:s16+$0x1C550] =	vst v7;
	v6 =	vld [tilespmem:s16+$0x194A0]  }
.LBB2_9:
0x116: {  	p0 =	sne.s32 s18, $0xC200;
	v7 =	vld [tilespmem:s17+$0x194B0];
	[tilespmem:s16+$0x1C560] =	vst v4  }
0x117: {  	v8 =	vld [tilespmem:s17+$0x19440];
	[tilespmem:s16+$0x1C570] =	vst v2  }
0x118: {  	v9 =	vld [tilespmem:s17+$0x19450];
	[tilespmem:s16+$0x1C580] =	vst v3  }
.Ltmp3:
0x119: {  	v4 =	vld [tilespmem:s17+$0x19460];
	[tilespmem:s16+$0x1C590] =	vst v5;
	(pc) =	sbr.rel @p0 .LBB2_9-.Ltmp3, $4  }
0x11a: {  	v2 =	vld [tilespmem:s17+$0x19470];
	[tilespmem:s16+$0x1C5A0] =	vst v6;
	s16 =	smov.u32 s17  }
0x11b: {  	v3 =	vld [tilespmem:s16+$0x19480];
	[tilespmem:s16+$0x1C5B0] =	vst v7  }
0x11c: {  	[tilespmem:s16+$0x1C540] =	vst v8;
	v5 =	vld [tilespmem:s16+$0x19490]  }
0x11d: {  	s17 =	sshra.s32 s18, $0x2;
	s18 =	sadd.s32 $0x200, s18;
	[tilespmem:s16+$0x1C550] =	vst v9;
	v6 =	vld [tilespmem:s16+$0x194A0]  }
0x11e: {  	v7 =	vld [tilespmem:s17+$0x194B0];
	[tilespmem:s16+$0x1C560] =	vst v4  }
0x11f: {  	v4 =	vld [tilespmem:s17+$0x19440];
	[tilespmem:s16+$0x1C570] =	vst v2  }
0x120: {  	v2 =	vld [tilespmem:s17+$0x19450];
	[tilespmem:s16+$0x1C580] =	vst v3  }
0x121: {  	v3 =	vld [tilespmem:s17+$0x19460];
	[tilespmem:s16+$0x1C590] =	vst v5  }
0x122: {  	v5 =	vld [tilespmem:s17+$0x19470];
	[tilespmem:s16+$0x1C5A0] =	vst v6  }
0x123: {  	v6 =	vld [tilespmem:s17+$0x19480];
	[tilespmem:s17+$0x1C5B0] =	vst v7  }
0x124: {  	[tilespmem:s17+$0x1C540] =	vst v4;
	v4 =	vld [tilespmem:s17+$0x19490]  }
0x125: {  	[tilespmem:s17+$0x1C550] =	vst v2;
	v2 =	vld [tilespmem:s17+$0x194A0]  }
0x126: {  	[tilespmem:s17+$0x1C560] =	vst v3  }
0x127: {  	s20 =	sadd.s32 s30, s14;
	[tilespmem:s17+$0x1C570] =	vst v5  }
0x128: {  	s16 =	sor.u32 s12, s20;
	[tilespmem:s17+$0x1C580] =	vst v6  }
0x129: {  	s16 =	sshrl.u32 s16, $0x3;
	[tilespmem:s17+$0x1C590] =	vst v4  }
0x12a: {  	s16 =	sadd.s32 s2, s16;
	[tilespmem:s17+$0x1C5A0] =	vst v2  }
0x12b: {  	[hbm4b:s16+s1] =	stream.strided.scatter [tilespmem:s6], [sflag:$0x3], $0x3100, s10, s1, $0x38;
	[tilespmem:$0x1F640] =	vst v63  }
0x12c: {  	_ = 	snop  }
0x12d: {  	[tilespmem:s5], [sflag:$0x4] =	stream.linear.gather [spmem:s19], $0x3100, $0x38;
	[tilespmem:$0x1F640] =	vst v63  }
0x12e: {  	_ =	swait.ge [sflag:s3], $0x3100  }
0x12f: {  	[sflag:s3] =	ssyncset.done $0x0  }
0x130: {  	[sflag:s3] =	ssyncadd.s32 $0xFFFFCF00  }
0x131: {  	_ =	swait.ge [sflag:s7], $0x3100  }
0x132: {  	[sflag:s7] =	ssyncset.done $0x0  }
0x133: {  	s16 =	simm.s32 $0x0;
	[sflag:s7] =	ssyncadd.s32 $0xFFFFCF00  }
0x134: {  	v5 =	vld [tilespmem:s16+$0x194B0]  }
0x135: {  	v6 =	vld [tilespmem:s16+$0x19440]  }
0x136: {  	v7 =	vld [tilespmem:s16+$0x19450]  }
0x137: {  	v4 =	vld [tilespmem:s16+$0x19460]  }
0x138: {  	v2 =	vld [tilespmem:s16+$0x19470]  }
0x139: {  	v3 =	vld [tilespmem:s16+$0x19480];
	[tilespmem:s16+$0x1C5B0] =	vst v5  }
0x13a: {  	[tilespmem:s16+$0x1C540] =	vst v6;
	v5 =	vld [tilespmem:s16+$0x19490]  }
0x13b: {  	s18 =	simm.s32 $0x400;
	s17 =	simm.s32 $0x80;
	[tilespmem:s16+$0x1C550] =	vst v7;
	v6 =	vld [tilespmem:s16+$0x194A0]  }
.LBB2_11:
0x13c: {  	p0 =	sne.s32 s18, $0xC200;
	v7 =	vld [tilespmem:s17+$0x194B0];
	[tilespmem:s16+$0x1C560] =	vst v4  }
0x13d: {  	v8 =	vld [tilespmem:s17+$0x19440];
	[tilespmem:s16+$0x1C570] =	vst v2  }
0x13e: {  	v9 =	vld [tilespmem:s17+$0x19450];
	[tilespmem:s16+$0x1C580] =	vst v3  }
.Ltmp4:
0x13f: {  	v4 =	vld [tilespmem:s17+$0x19460];
	[tilespmem:s16+$0x1C590] =	vst v5;
	(pc) =	sbr.rel @p0 .LBB2_11-.Ltmp4, $4  }
0x140: {  	v2 =	vld [tilespmem:s17+$0x19470];
	[tilespmem:s16+$0x1C5A0] =	vst v6;
	s16 =	smov.u32 s17  }
0x141: {  	v3 =	vld [tilespmem:s16+$0x19480];
	[tilespmem:s16+$0x1C5B0] =	vst v7  }
0x142: {  	[tilespmem:s16+$0x1C540] =	vst v8;
	v5 =	vld [tilespmem:s16+$0x19490]  }
0x143: {  	s17 =	sshra.s32 s18, $0x2;
	s18 =	sadd.s32 $0x200, s18;
	[tilespmem:s16+$0x1C550] =	vst v9;
	v6 =	vld [tilespmem:s16+$0x194A0]  }
0x144: {  	v7 =	vld [tilespmem:s17+$0x194B0];
	[tilespmem:s16+$0x1C560] =	vst v4  }
0x145: {  	v4 =	vld [tilespmem:s17+$0x19440];
	[tilespmem:s16+$0x1C570] =	vst v2  }
0x146: {  	v2 =	vld [tilespmem:s17+$0x19450];
	[tilespmem:s16+$0x1C580] =	vst v3  }
0x147: {  	v3 =	vld [tilespmem:s17+$0x19460];
	[tilespmem:s16+$0x1C590] =	vst v5  }
0x148: {  	v5 =	vld [tilespmem:s17+$0x19470];
	[tilespmem:s16+$0x1C5A0] =	vst v6  }
0x149: {  	v6 =	vld [tilespmem:s17+$0x19480];
	[tilespmem:s17+$0x1C5B0] =	vst v7  }
0x14a: {  	[tilespmem:s17+$0x1C540] =	vst v4;
	v4 =	vld [tilespmem:s17+$0x19490]  }
0x14b: {  	[tilespmem:s17+$0x1C550] =	vst v2;
	v2 =	vld [tilespmem:s17+$0x194A0]  }
0x14c: {  	[tilespmem:s17+$0x1C560] =	vst v3  }
0x14d: {  	s20 =	sadd.s32 s31, s14;
	[tilespmem:s17+$0x1C570] =	vst v5  }
0x14e: {  	s16 =	sor.u32 s12, s20;
	[tilespmem:s17+$0x1C580] =	vst v6  }
0x14f: {  	s16 =	sshrl.u32 s16, $0x3;
	[tilespmem:s17+$0x1C590] =	vst v4  }
0x150: {  	s16 =	sadd.s32 s2, s16;
	[tilespmem:s17+$0x1C5A0] =	vst v2  }
0x151: {  	[hbm4b:s16+s1] =	stream.strided.scatter [tilespmem:s6], [sflag:$0x3], $0x3100, s10, s1, $0x38;
	[tilespmem:$0x1F640] =	vst v63  }
0x152: {  	_ = 	snop  }
0x153: {  	[tilespmem:s5], [sflag:$0x4] =	stream.linear.gather [spmem:s23], $0x3100, $0x38;
	[tilespmem:$0x1F640] =	vst v63  }
0x154: {  	_ =	swait.ge [sflag:s3], $0x3100  }
0x155: {  	[sflag:s3] =	ssyncset.done $0x0  }
0x156: {  	[sflag:s3] =	ssyncadd.s32 $0xFFFFCF00  }
0x157: {  	_ =	swait.ge [sflag:s7], $0x3100  }
0x158: {  	[sflag:s7] =	ssyncset.done $0x0  }
0x159: {  	s16 =	simm.s32 $0x0;
	[sflag:s7] =	ssyncadd.s32 $0xFFFFCF00  }
0x15a: {  	v5 =	vld [tilespmem:s16+$0x194B0]  }
0x15b: {  	v6 =	vld [tilespmem:s16+$0x19440]  }
0x15c: {  	v7 =	vld [tilespmem:s16+$0x19450]  }
0x15d: {  	v4 =	vld [tilespmem:s16+$0x19460]  }
0x15e: {  	v2 =	vld [tilespmem:s16+$0x19470]  }
0x15f: {  	v3 =	vld [tilespmem:s16+$0x19480];
	[tilespmem:s16+$0x1C5B0] =	vst v5  }
0x160: {  	[tilespmem:s16+$0x1C540] =	vst v6;
	v5 =	vld [tilespmem:s16+$0x19490]  }
0x161: {  	s18 =	simm.s32 $0x400;
	s17 =	simm.s32 $0x80;
	[tilespmem:s16+$0x1C550] =	vst v7;
	v6 =	vld [tilespmem:s16+$0x194A0]  }
.LBB2_13:
0x162: {  	p0 =	sne.s32 s18, $0xC200;
	v7 =	vld [tilespmem:s17+$0x194B0];
	[tilespmem:s16+$0x1C560] =	vst v4  }
0x163: {  	v8 =	vld [tilespmem:s17+$0x19440];
	[tilespmem:s16+$0x1C570] =	vst v2  }
0x164: {  	v9 =	vld [tilespmem:s17+$0x19450];
	[tilespmem:s16+$0x1C580] =	vst v3  }
.Ltmp5:
0x165: {  	v4 =	vld [tilespmem:s17+$0x19460];
	[tilespmem:s16+$0x1C590] =	vst v5;
	(pc) =	sbr.rel @p0 .LBB2_13-.Ltmp5, $4  }
0x166: {  	v2 =	vld [tilespmem:s17+$0x19470];
	[tilespmem:s16+$0x1C5A0] =	vst v6;
	s16 =	smov.u32 s17  }
0x167: {  	v3 =	vld [tilespmem:s16+$0x19480];
	[tilespmem:s16+$0x1C5B0] =	vst v7  }
0x168: {  	[tilespmem:s16+$0x1C540] =	vst v8;
	v5 =	vld [tilespmem:s16+$0x19490]  }
0x169: {  	s17 =	sshra.s32 s18, $0x2;
	s18 =	sadd.s32 $0x200, s18;
	[tilespmem:s16+$0x1C550] =	vst v9;
	v6 =	vld [tilespmem:s16+$0x194A0]  }
0x16a: {  	v7 =	vld [tilespmem:s17+$0x194B0];
	[tilespmem:s16+$0x1C560] =	vst v4  }
0x16b: {  	v4 =	vld [tilespmem:s17+$0x19440];
	[tilespmem:s16+$0x1C570] =	vst v2  }
0x16c: {  	v2 =	vld [tilespmem:s17+$0x19450];
	[tilespmem:s16+$0x1C580] =	vst v3  }
0x16d: {  	v3 =	vld [tilespmem:s17+$0x19460];
	[tilespmem:s16+$0x1C590] =	vst v5  }
0x16e: {  	v5 =	vld [tilespmem:s17+$0x19470];
	[tilespmem:s16+$0x1C5A0] =	vst v6  }
0x16f: {  	v6 =	vld [tilespmem:s17+$0x19480];
	[tilespmem:s17+$0x1C5B0] =	vst v7  }
0x170: {  	v63 =	vld [tilespmem:s17+$0x19490];
	[tilespmem:s17+$0x1C540] =	vst v4  }
0x171: {  	[tilespmem:s17+$0x1C550] =	vst v2;
	v2 =	vld [tilespmem:s17+$0x194A0]  }
0x172: {  	[tilespmem:s17+$0x1C560] =	vst v3  }
0x173: {  	s14 =	sadd.s32 s0, s14;
	[tilespmem:s17+$0x1C570] =	vst v5  }
0x174: {  	s12 =	sor.u32 s12, s14;
	[tilespmem:s17+$0x1C580] =	vst v6  }
0x175: {  	p0 =	sne.s32 s13, $0x18;
	s12 =	sshrl.u32 s12, $0x3;
	[tilespmem:s17+$0x1C590] =	vst v63  }
.Ltmp6:
0x176: {  	s12 =	sadd.s32 s2, s12;
	[tilespmem:s17+$0x1C5A0] =	vst v2;
	(pc) =	sbr.rel @p0 .LBB2_4-.Ltmp6, $4  }
0x177: {  	[hbm4b:s12+s1] =	stream.strided.scatter [tilespmem:s6], [sflag:$0x3], $0x3100, s10, s1, $0x38;
	[tilespmem:$0x1F640] =	vst v63  }
0x178: {  	_ =	swait.ge [sflag:s7], $0x3100  }
0x179: {  	[sflag:s7] =	ssyncset.done $0x0  }
0x17a: {  	s12 =	smov.u32 s13;
	[sflag:s7] =	ssyncadd.s32 $0xFFFFCF00  }
0x17b: {  	s12 =	rddreg [dreg:$0x4]  }
0x17c: {  	s13 =	rddreg [dreg:$0x11];
	s12 =	sadd.s32 $0x1, s12  }
0x17d: {  	p0 =	sne.s32 s12, s13  }
.Ltmp7:
0x17e: {  	_ = 	snop;
	(pc) =	sbr.rel @p0 .LBB2_1-.Ltmp7, $1  }
0x17f: {  	_ =	sdelay $0x3  }
0x180: {  	_ =	sfence.sel $0x180000  }
0x181: {  	[bflag:$0x0] =	sbarrier.arrive $0xFFFF  }
0x182: {  	_ =	strace $0x90000047  }
0x183: {  	s0 =	stileid.u32;
	[bflag:$0x2] =	sbarrier.arrive $0xFFFF  }
0x184: {  	p0 =	sne.s32 s0, $0x0;
	s0 =	rddreg [dreg:$0x3]  }
0x185: {  	s0 =	sadd.s32 @!p0 $0x100000, s0  }
0x186: {  	[sflag:s0] =	ssyncadd.tile.s32 @!p0 $0x1;
	_ =	shalt  }
.Lfunc_end2:
_tile_overlayer_lowered:
.L_overlay_start_2:
0x187: {  	(tag) =	ssettag $0x2  }
0x188: {  	s0 =	rddreg [dreg:$0x0];
	s2 =	stileid.u32  }
0x189: {  	s1 =	rddreg [dreg:$0x1];
	p0 =	sne.s32 s2, $0x0  }
0x18a: {  	s3 =	rddreg [dreg:$0x2];
	[bflag:$0x3] =	sbarrier.arrive $0xFFFF;
	s2 =	simm.s32 @!p0 $0x1C04  }
0x18b: {  	[timem:s3], [sflag:s2] =	dma.local @!p0 [hbm:s0], s1  }
0x18c: {  	s0 =	simm.s32 @!p0 $0x4  }
0x18d: {  	_ =	swait.ge @!p0 [sflag:s0], s1  }
0x18e: {  	s1 =	ssub.s32 @!p0 $0x0, s1;
	[sflag:s0] =	ssyncset.done @!p0 $0x0  }
0x18f: {  	[sflag:s0] =	ssyncadd.s32 @!p0 s1  }
0x190: {  	[bflag:$0x3] =	sbarrier.arrive $0xFFFF  }
0x191: {  	_ =	shalt  }

// kernel: sparse-core-data-format-call.cloned.1.call-start
scs
called_computation_lowered:
.L_overlay_start_0:
0x0: {  	s2 =	sld [smem:$0x3FD9]  }
0x1: {  	s3 =	sld [smem:$0x3FFE];
	_ =	sdelay $0x1  }
0x2: {  	s1 =	srdreg.scid  }
0x3: {  	s0 =	sand.u32 $0x1, s1  }
0x4: {  	s18 =	sshll.u32 s0, $0xA;
	s2 =	sadd.s32 s3, s2  }
0x5: {  	s2 =	sadd.s32 s2, s18  }
0x6: {  	[smem:$0x3FC6] =	sst s2  }
0x7: {  	_ = 	snop  }
0x8: {  	s2 =	sld [smem:$0x3FD0];
	(tm) =	ssettm $0x1  }
0x9: {  	s19 =	sld [smem:$0x3FFB];
	_ =	sdelay $0x3  }
0xa: {  	_ =	strace s19  }
0xb: {  	s3 =	sld [smem:$0x3FFC];
	_ =	sdelay $0x3  }
0xc: {  	_ =	strace s3  }
0xd: {  	s3 =	sld [smem:$0x3FFD];
	_ =	sdelay $0x3  }
0xe: {  	_ =	strace s3  }
0xf: {  	_ =	strace $0x8FFFFFFF  }
0x10: {  	s20 =	sld [smem:$0x3FDB];
	_ =	sdelay $0x1  }
0x11: {  	s4 =	simm.s32 $_scs_section_size  }
0x12: {  	s5 =	simm.s32 $_size__tile_overlayer_lowered;
	s6 =	simm.s32 $_tile_overlayer_lowered  }
0x13: {  	s23 =	simm.s32 $0x1BFF;
	s22 =	sshll.u32 s6, $0x1;
	s3 =	sadd.s32 s4, s20  }
0x14: {  	s7 =	simm.s32 $0x0;
	s21 =	sshll.u32 s5, $0x1;
	s5 =	sadd.s32 s22, s3  }
0x15: {  	[timem:s7], [sflag:s23] =	dma.local [hbm:s5], s21  }
0x16: {  	_ =	swait.ge [sflag:s23], s21  }
0x17: {  	s4 =	ssub.s32 $0x0, s21;
	[sflag:s23] =	ssyncset.done $0x0  }
0x18: {  	[sflag:s23] =	ssyncadd.s32 s4;
	_ =	sdelay $0x1  }
0x19: {  	s24 =	simm.s32 $0x1B8B  }
0x1a: {  	_ =	swait.ge [sflag:s24], $0x1  }
0x1b: {  	[sflag:s24] =	ssyncset.done $0x0  }
0x1c: {  	s26 =	simm.s32 $0x1B8E;
	s25 =	sld [smem:$0x3FFE];
	[sflag:s24] =	ssyncadd.s32 $0xFFFFFFFF  }
0x1d: {  	s27 =	simm.s32 $execute0_lowered;
	[smem:$0x3FD2] =	sst s26  }
0x1e: {  	s5 =	sshll.u32 s27, $0x1;
	_ =	strace $0x80000049;
	[dreg:$0x1] =	wrdreg $0xFFFFFFFF  }
0x1f: {  	s28 =	simm.s32 $_size_execute0_lowered;
	s3 =	sadd.s32 s3, s5;
	[dreg:$0x0] =	wrdreg $0x0  }
0x20: {  	s5 =	sshll.u32 s28, $0x1;
	[dreg:$0x2] =	wrdreg s3  }
0x21: {  	[dreg:$0x3] =	wrdreg s5  }
0x22: {  	[dreg:$0x4] =	wrdreg $0xC0  }
0x23: {  	_ =	task [dreg:s7], $0x5FFFF  }
0x24: {  	[dreg:$0x1] =	wrdreg $0xFFFFFFFF  }
0x25: {  	[dreg:$0x0] =	wrdreg $0x60  }
0x26: {  	[dreg:$0x2] =	wrdreg s25  }
0x27: {  	[dreg:$0x3] =	wrdreg s2  }
0x28: {  	[dreg:$0x4] =	wrdreg $0x9  }
0x29: {  	_ =	task.clear_ibuf [dreg:s7], $0x5FFFF;
	_ =	strace $0x90000049  }
0x2a: {  	s29 =	simm.s32 $0x9;
	_ =	strace $0x8000004B  }
0x2b: {  	_ =	swait.ge [sflag:s29], $0x1  }
0x2c: {  	[sflag:s29] =	ssyncadd.s32 $0xFFFFFFFF  }
0x2d: {  	_ =	strace $0x9000004B  }
0x2e: {  	_ =	sfence  }
0x2f: {  	s30 =	sld [smem:$0x0];
	_ =	sdelay $0x2  }
0x30: {  	s31 =	sshll.u32 s1, $0xD;
	s1 =	sshrl.u32 s1, $0x2  }
0x31: {  	s3 =	sand.u32 $0x4000, s31;
	s1 =	sadd.s32 s1, s30  }
0x32: {  	s0 =	sor.u32 s3, s0;
	s1 =	sshll.u32 s1, $0x11  }
0x33: {  	s0 =	sor.u32 s1, s0  }
0x34: {  	s0 =	sadd.s32 $0x8F2B, s0  }
0x35: {  	[sflag:s0] =	ssyncadd.remote.s32 $0x1  }
0x36: {  	_ =	sfence.sel $0xFFFF  }
0x37: {  	[dreg:$0x0] =	wrdreg $0xFFFFFFFF;
	(pc) =	sbr.abs _section_cstart, $3  }
0x38: {  	[dreg:$0x1] =	wrdreg $0xFFFFFFFF  }
0x39: {  	_ =	task.clear_ibuf [dreg:s7], $0x2FFFF;
	_ =	strace $0x9FFFFFFF  }
0x3a: {  	(tm) =	ssettm $0x7FFFFFFF  }
0x3b: {  	_ =	shalt  }
tec
execute0_lowered:
.L_overlay_start_1:
0x0: {  	(tag) =	ssettag $0x1  }
0x1: {  	s0 =	rddreg [dreg:$0x0]  }
0x2: {  	s1 =	srdreg.scid;
	_ =	strace $0x8000004A;
	s2 =	stileid.u32  }
0x3: {  	s30 =	simm.s32 $0x1;
	s31 =	simm.s32 $0x2;
	s15 =	simm.s32 $0x0  }
0x4: {  	s16 =	simm.s32 $0x0;
	s17 =	simm.s32 $0x0;
	s8 =	simm.s32 $0x0  }
0x5: {  	s10 =	simm.s32 $0x0;
	s12 =	simm.s32 $0x0;
	s11 =	simm.s32 $0x0  }
.Ltmp0:
0x6: {  	s9 =	simm.s32 $0x0;
	s29 =	sshll.u32 s1, $0x4;
	(pc) =	sbr.rel .LBB1_1-.Ltmp0, $4  }
0x7: {  	s6 =	sadd.s32 $0x800, s0;
	[sflag:s30] =	ssyncpa.u1 $0x0;
	s0 =	sand.u32 $0x10, s29  }
0x8: {  	s7 =	sand.u32 $0x7, s2;
	[dreg:$0x3] =	wrdreg s6;
	s0 =	sor.u32 s2, s0  }
0x9: {  	[sflag:s31] =	ssyncpa.u1 $0x0;
	[dreg:$0x4] =	wrdreg s7;
	s22 =	sshrl.u32 s0, $0x3  }
0xa: {  	s14 =	smov.u32 s7;
	s13 =	smov.u32 s22;
	[dreg:$0x5] =	wrdreg s22  }
.LBB1_9:
0xb: {  	p0 =	sgt.s32 s8, $0x80;
	s3 =	smul.u32 $0xA8000, s12  }
0xc: {  	s0 =	smov.u32 s8;
	s1 =	sshrl.u32 s8, $0x5;
	s27 =	smul.u32 $0xC00, s10  }
0xd: {  	s4 =	sshrl.u32 s8, $0x3;
	s5 =	rddreg [dreg:$0x1];
	s0 =	simm.s32 @!p0 $0x80  }
0xe: {  	s28 =	sand.u32 $0x7, s8;
	s1 =	sand.u32 $0xFFFFFC, s1;
	s0 =	sadd.s32 s19, s0  }
0xf: {  	s29 =	rddreg [dreg:$0x6];
	s26 =	smulhi.u32 $0x2AAAAAB, s1;
	s2 =	sadd.s32 $0xFFFFFF80, s0  }
0x10: {  	s6 =	rddreg [dreg:$0x3];
	s0 =	ssub.s32 $0x100, s0;
	p0 =	sgt.s32 s2, $0x7F  }
0x11: {  	s7 =	rddreg [dreg:$0x4];
	s2 =	smul.u32 $0x60, s26;
	s0 =	simm.s32 @p0 $0x0  }
0x12: {  	s31 =	simm.s32 $0x800;
	s22 =	rddreg [dreg:$0x5];
	s0 =	smul.u32 s0, s18  }
0x13: {  	s4 =	sand.u32 $0xF, s4;
	s3 =	sadd.s32 s5, s3;
	s1 =	ssub.s32 s1, s2  }
0x14: {  	s2 =	sadd.s32 s27, s3;
	s3 =	sshll.u32 s28, $0x12;
	s0 =	smul.u32 $0x60, s0  }
0x15: {  	s1 =	sshll.u32 s1, $0x5;
	s2 =	sadd.s32 s4, s2;
	s4 =	sor.u32 $0x8000, s29  }
0x16: {  	s30 =	sor.u32 $0x400, s3;
	s1 =	sadd.s32 s1, s2;
	s0 =	sand.u32 $0x3FFFFFE0, s0  }
0x17: {  	[hbm4b:s1+s30] =	stream.strided.scatter [tilespmem:s4], [sflag:$0x2], s0, s31, s30, $0x20;
	[tilespmem:$0x10100] =	vst v63  }
.LBB1_10:
0x18: {  	p0 =	slt.u32 s9, $0x2  }
0x19: {  	p1 =	sgt.s32 @!p0 s17, $0x7  }
0x1a: {  	s0 =	smov.u32 s17;
	s1 =	sshra.s32 @!p0 s17, $0x1F;
	p1 =	por !p1, p0  }
0x1b: {  	s2 =	smov.u32 s16;
	s1 =	sand.u32 @!p0 s1, s17;
	s0 =	simm.s32 @p1 $0x7  }
0x1c: {  	s3 =	sshra.s32 @!p0 s16, $0x1F;
	p1 =	sgt.s32 @!p0 s16, $0xDF;
	s0 =	ssub.s32 @!p0 s0, s1  }
0x1d: {  	s4 =	sshra.s32 @!p0 s15, $0x1F;
	p2 =	por !p1, p0;
	s1 =	sadd.s32 @!p0 $0xFFFFFFF9, s0  }
0x1e: {  	s2 =	simm.s32 @p2 $0xDF;
	p1 =	sgt.s32 @!p0 s1, $0x0;
	s1 =	sand.u32 @!p0 s3, s16  }
0x1f: {  	s0 =	ssub.s32 @!p0 $0x8, s0;
	p2 =	sgt.s32 @!p0 s15, $0x80;
	s1 =	ssub.s32 @!p0 s2, s1  }
0x20: {  	p2 =	por !p2, p0;
	s3 =	smov.u32 s15;
	s2 =	sadd.s32 @!p0 $0xFFFFFF21, s1  }
0x21: {  	s3 =	simm.s32 @p2 $0x80;
	p2 =	sgt.s32 @!p0 s2, $0x0;
	s2 =	sand.u32 @!p0 s4, s15  }
0x22: {  	s0 =	smul.u32 @!p0 $0x60, s0;
	p1 =	por !p1, p0;
	s2 =	ssub.s32 @!p0 s3, s2  }
0x23: {  	s1 =	ssub.s32 @!p0 $0xE0, s1;
	p2 =	por !p2, p0;
	s3 =	sadd.s32 @!p0 $0xFFFFFF80, s2  }
0x24: {  	s0 =	simm.s32 @!p1 $0x0;
	s1 =	simm.s32 @!p2 $0x0;
	p2 =	sgt.s32 @!p0 s3, $0x7F  }
0x25: {  	s2 =	ssub.s32 @!p0 $0x100, s2;
	s0 =	smul.u32 @!p0 s1, s0;
	p1 =	por !p2, p0  }
0x26: {  	s1 =	sadd.s32 $0x80, s11;
	s3 =	smov.u32 s13;
	s2 =	simm.s32 @!p1 $0x0  }
0x27: {  	p1 =	sgt.s32 s1, $0xDF;
	s0 =	smul.u32 @!p0 s2, s0;
	s2 =	sadd.s32 $0x4, s13  }
0x28: {  	s3 =	smov.u32 @p1 s2  }
0x29: {  	s5 =	smov.u32 s14;
	s2 =	sadd.s32 $0x8, s14;
	p2 =	sgt.s32 s3, $0xDF  }
0x2a: {  	s9 =	sadd.s32 $0x1, s9;
	s5 =	smov.u32 @p2 s2  }
0x2b: {  	s17 =	smov.u32 s12;
	s1 =	simm.s32 @p1 $0x0;
	p1 =	sgt.s32 s5, $0x7  }
0x2c: {  	s12 =	smov.u32 s14;
	s5 =	smov.u32 @p1 s7;
	p1 =	sne.s32 s9, $0x72  }
.Ltmp1:
0x2d: {  	s16 =	smov.u32 s10;
	s10 =	smov.u32 s13;
	(pc) =	sbr.rel @!p1 .LBB1_11-.Ltmp1, $4  }
0x2e: {  	s4 =	simm.s32 @!p0 $0x2;
	s15 =	smov.u32 s8;
	s0 =	sand.u32 @!p0 $0x3FFFFFE0, s0  }
0x2f: {  	s8 =	smov.u32 s11;
	s11 =	smov.u32 s1;
	_ =	swait.ge @!p0 [sflag:s4], s0  }
0x30: {  	s0 =	ssub.s32 @!p0 $0x0, s0;
	s3 =	smov.u32 @p2 s22;
	[sflag:s4] =	ssyncset.done @!p0 $0x0  }
0x31: {  	s13 =	smov.u32 s3;
	[sflag:s4] =	ssyncadd.s32 @!p0 s0;
	s14 =	smov.u32 s5  }
.LBB1_1:
0x32: {  	p0 =	sgt.u32 s9, $0x6F;
	s18 =	smov.u32 s14  }
0x33: {  	s0 =	sand.u32 @!p0 $0x1FFFFFF, s11;
	p1 =	sgt.s32 @!p0 s14, $0x7;
	s19 =	sshra.s32 @!p0 s14, $0x1F  }
0x34: {  	s20 =	sshra.s32 @!p0 s13, $0x1F;
	s1 =	smulhi.u32 @!p0 $0x2492493, s0;
	p1 =	por !p1, p0  }
0x35: {  	s19 =	sand.u32 @!p0 s19, s14;
	s20 =	sand.u32 @!p0 s20, s13;
	s18 =	simm.s32 @p1 $0x7  }
0x36: {  	p1 =	sgt.s32 @!p0 s13, $0xDF;
	s1 =	sshrl.u32 @!p0 s1, $0x1;
	s18 =	ssub.s32 @!p0 s18, s19  }
0x37: {  	p1 =	por !p1, p0;
	s19 =	smov.u32 s13;
	s1 =	smul.u32 @!p0 $0xE0, s1  }
0x38: {  	s19 =	simm.s32 @p1 $0xDF;
	p1 =	sgt.s32 @!p0 s11, $0x60;
	s18 =	sadd.s32 @!p0 $0xFFFFFFF9, s18  }
0x39: {  	s19 =	ssub.s32 @!p0 s19, s20;
	p1 =	por !p1, p0;
	s20 =	smov.u32 s11  }
0x3a: {  	p2 =	sgt.s32 @!p0 s18, $0x0;
	s18 =	sshll.u32 @!p0 s18, $0x7;
	s21 =	sadd.s32 @!p0 $0xFFFFFF21, s19  }
0x3b: {  	s20 =	simm.s32 @p1 $0x60;
	p1 =	sgt.s32 @!p0 s21, $0x0;
	s21 =	sshra.s32 @!p0 s11, $0x1F  }
0x3c: {  	s19 =	ssub.s32 @!p0 $0xE0, s19;
	s18 =	ssub.s32 @!p0 $0x80, s18;
	s21 =	sand.u32 @!p0 s21, s11  }
0x3d: {  	p2 =	por !p2, p0;
	p1 =	por !p1, p0;
	s20 =	ssub.s32 @!p0 s20, s21  }
0x3e: {  	s18 =	simm.s32 @!p2 $0x0;
	s19 =	simm.s32 @!p1 $0x0;
	s21 =	sadd.s32 @!p0 $0xFFFFFFA0, s20  }
0x3f: {  	s0 =	ssub.s32 @!p0 s0, s1;
	s18 =	smul.u32 @!p0 s19, s18;
	p1 =	sgt.s32 @!p0 s21, $0x7F  }
0x40: {  	s19 =	ssub.s32 @!p0 $0xE0, s20;
	s20 =	smul.u32 @!p0 $0xC4000, s14;
	p1 =	por !p1, p0  }
0x41: {  	s1 =	smul.u32 @!p0 $0xE00, s13;
	s21 =	sxor.u32 @!p0 $0xFFFFFFFF, s9;
	s19 =	simm.s32 @!p1 $0x0  }
0x42: {  	s21 =	sshll.u32 @!p0 s21, $0xE;
	s18 =	smul.u32 @!p0 s19, s18;
	s19 =	sadd.s32 @!p0 s6, s20  }
0x43: {  	s0 =	sshll.u32 @!p0 s0, $0x4;
	s20 =	sand.u32 @!p0 $0x4000, s21;
	s1 =	sadd.s32 @!p0 s1, s19  }
0x44: {  	s18 =	sand.u32 @!p0 $0x3FFFFF80, s18;
	s0 =	sadd.s32 @!p0 s0, s1;
	s1 =	simm.s32 @!p0 $0x0  }
0x45: {  	[tilespmem:s20], [sflag:$0x1] =	stream.linear.gather @!p0 [hbm4b:s0+s1], s18, $0x38;
	[tilespmem:$0x10100] =	vst v63  }
0x46: {  	p0 =	seq.s32 s9, $0x0  }
0x47: {  	p1 =	seq.s32 @!p0 s9, $0x71  }
0x48: {  	p0 =	por p0, p1  }
.Ltmp2:
0x49: {  	_ = 	snop;
	(pc) =	sbr.rel @p0 .LBB1_10-.Ltmp2, $1  }
0x4a: {  	_ =	sdelay $0x3  }
0x4b: {  	p0 =	sgt.s32 s12, $0x7;
	s0 =	smov.u32 s12;
	s1 =	sshra.s32 s12, $0x1F  }
0x4c: {  	s18 =	sshra.s32 s10, $0x1F;
	s26 =	ssub.s32 $0x0, s8;
	s27 =	sshra.s32 s8, $0x1F  }
0x4d: {  	p1 =	sgt.s32 s8, $0x60;
	s20 =	smov.u32 s8;
	s0 =	simm.s32 @!p0 $0x7  }
0x4e: {  	s1 =	sand.u32 s1, s12;
	p0 =	sgt.s32 s10, $0xDF;
	s18 =	sand.u32 s18, s10  }
0x4f: {  	s20 =	simm.s32 @!p1 $0x60;
	s0 =	ssub.s32 s0, s1;
	s1 =	smov.u32 s10  }
0x50: {  	s19 =	sadd.s32 $0xFFFFFFF9, s0;
	s1 =	simm.s32 @!p0 $0xDF;
	s0 =	ssub.s32 $0x8, s0  }
0x51: {  	p0 =	sgt.s32 s19, $0x0;
	s1 =	ssub.s32 s1, s18;
	s19 =	sand.u32 s26, s27  }
0x52: {  	s21 =	sadd.s32 $0xFFFFFF21, s1;
	s1 =	ssub.s32 $0xE0, s1;
	s18 =	sadd.s32 s19, s20  }
0x53: {  	s0 =	simm.s32 @p0 $0x0;
	p1 =	sgt.s32 s21, $0x0;
	s20 =	sadd.s32 $0xFFFFFFA0, s18  }
0x54: {  	s1 =	simm.s32 @p1 $0x0;
	s28 =	sshll.u32 s20, $0x7;
	p0 =	sgt.s32 s20, $0x7F  }
0x55: {  	s18 =	smul.u32 s0, s1;
	s0 =	ssub.s32 $0x4000, s28;
	s1 =	sadd.s32 $0x1, s12  }
0x56: {  	s20 =	sadd.s32 $0x1, s10;
	s0 =	simm.s32 @p0 $0x0;
	p0 =	slt.s32 s1, $0x8  }
0x57: {  	s1 =	simm.s32 @!p0 $0x8;
	p0 =	slt.s32 s20, $0xE0  }
0x58: {  	s21 =	ssub.s32 s1, s12;
	s20 =	simm.s32 @!p0 $0xE0;
	s1 =	sadd.s32 $0x80, s8  }
0x59: {  	s22 =	ssub.s32 s20, s10;
	p1 =	slt.s32 s1, $0xE0;
	p0 =	slt.s32 s21, $0x1  }
0x5a: {  	s1 =	simm.s32 @!p1 $0xE0;
	p1 =	slt.s32 @!p0 s22, $0x1  }
0x5b: {  	s23 =	ssub.s32 s1, s8;
	p1 =	por p0, p1  }
0x5c: {  	p2 =	slt.s32 @!p1 s23, $0x1  }
0x5d: {  	s0 =	smul.u32 s18, s0;
	p1 =	por p1, p2  }
.Ltmp3:
0x5e: {  	_ = 	snop;
	(pc) =	sbr.rel @p1 .LBB1_9-.Ltmp3, $4  }
0x5f: {  	s2 =	simm.s32 $0x1;
	s29 =	sand.u32 $0x3FFFFF80, s0;
	s0 =	sand.u32 $0x1, s9  }
0x60: {  	_ =	swait.ge [sflag:s2], s29;
	s31 =	smul.u32 $0x4080, s0  }
0x61: {  	s30 =	ssub.s32 $0x0, s29;
	[sflag:s2] =	ssyncset.done $0x0  }
0x62: {  	[sflag:s2] =	ssyncadd.s32 s30;
	[dreg:$0x6] =	wrdreg s31  }
0x63: {  	s24 =	sshll.u32 @!p0 s0, $0xE;
	s0 =	rddreg [dreg:$0x6]  }
0x64: {  	s26 =	simm.s32 $0x0;
	s25 =	sor.u32 @!p0 $0x8000, s0  }
.LBB1_4:
0x65: {  	s27 =	simm.s32 $0x0  }
.LBB1_5:
0x66: {  	s0 =	sadd.s32 s26, s27  }
0x67: {  	s1 =	sshll.u32 s0, $0x10  }
0x68: {  	s1 =	sshra.s32 s1, $0x2  }
0x69: {  	s1 =	sadd.s32 s1, s24  }
0x6a: {  	s29 =	simm.s32 $0x0;
	s7 =	simm.s32 $0x0;
	s0 =	smul.u32 $0x10200, s0;
	v0 =	vmov s1  }
0x6b: {  	s31 =	simm.s32 $0x10;
	s4 =	simm.s32 $0x30;
	s3 =	simm.s32 $0x50  }
0x6c: {  	s31 =	sand.u32 $0x78, s31;
	s4 =	sand.u32 $0x78, s4;
	s0 =	sshra.s32 s0, $0x2  }
0x6d: {  	s31 =	smul.u32 $0x204, s31;
	s28 =	sadd.s32 s0, s25;
	s0 =	sand.u32 $0x78, s7  }
0x6e: {  	s4 =	smul.u32 $0x204, s4;
	s1 =	sand.u32 $0x3F80, s29;
	s2 =	sxor.u32 $0x40, s0  }
0x6f: {  	s30 =	simm.s32 $0x1;
	s3 =	sand.u32 $0x78, s3;
	s2 =	smul.u32 $0x204, s2;
	v1 =	vld.idx.msk [tilespmem:v0+s1+$0x40 ss:$0x1], $0xffff  }
0x70: {  	p0 =	sne.s32 s23, $0x1;
	s5 =	sand.u32 $0x7F, s29;
	s3 =	smul.u32 $0x204, s3  }
0x71: {  	s7 =	simm.s32 $0x20;
	s0 =	smul.u32 $0x204, s0;
	s2 =	sshrl.u32 s2, $0x2;
	v2 =	vld.idx.msk [tilespmem:v0+s1+$0x0 ss:$0x1], $0xffff  }
0x72: {  	s31 =	sshrl.u32 s31, $0x2;
	s7 =	sand.u32 $0x78, s7;
	v3 =	vld.idx.msk [tilespmem:v0+s1+$0x10 ss:$0x1], $0xffff;
	s2 =	sadd.s32 s2, s28  }
0x73: {  	s7 =	smul.u32 $0x204, s7;
	s0 =	sshrl.u32 s0, $0x2;
	v4 =	vld.idx.msk [tilespmem:v0+s1+$0x20 ss:$0x1], $0xffff;
	s2 =	sadd.s32 s5, s2  }
.Ltmp4:
0x74: {  	s4 =	sshrl.u32 s4, $0x2;
	s0 =	sadd.s32 s0, s28;
	[tilespmem:s2+$0x0 ss:$0x81] =	vst.msk $0xffff, v1;
	v1 =	vld.idx.msk [tilespmem:v0+s1+$0x30 ss:$0x1], $0xffff;
	(pc) =	sbr.rel @!p0 .LBB1_7-.Ltmp4, $4  }
0x75: {  	s20 =	sadd.s32 s31, s28;
	s7 =	sshrl.u32 s7, $0x2;
	s0 =	sadd.s32 s5, s0  }
0x76: {  	s3 =	sshrl.u32 s3, $0x2;
	s7 =	sadd.s32 s7, s28;
	[tilespmem:s0+$0x0 ss:$0x81] =	vst.msk $0xffff, v2;
	s2 =	sadd.s32 s5, s20;
	v2 =	vld.idx.msk [tilespmem:v0+s1+$0x50 ss:$0x1], $0xffff  }
0x77: {  	s6 =	sadd.s32 s4, s28;
	s20 =	sadd.s32 s5, s7;
	[tilespmem:s2+$0x0 ss:$0x81] =	vst.msk $0xffff, v3;
	s2 =	sadd.s32 s3, s28  }
0x78: {  	s31 =	simm.s32 $0x2808;
	s1 =	sadd.s32 s5, s6;
	[tilespmem:s20+$0x0 ss:$0x81] =	vst.msk $0xffff, v4;
	s0 =	sadd.s32 s5, s2  }
.LBB1_6:
0x79: {  	s2 =	sadd.s32 $0xFFFFD800, s31;
	s3 =	sadd.s32 $0xFFFFE000, s31;
	[tilespmem:s1+$0x0 ss:$0x81] =	vst.msk $0xffff, v1;
	s1 =	smov.u32 s30  }
0x7a: {  	s30 =	sadd.s32 $0x1, s30;
	s29 =	sadd.s32 $0x80, s29;
	s4 =	sadd.s32 $0xFFFFE800, s31  }
0x7b: {  	s5 =	sadd.s32 $0xFFFFF000, s31;
	s2 =	sshrl.u32 s2, $0x7;
	p0 =	sne.s32 s23, s30;
	[tilespmem:s0+$0x0 ss:$0x81] =	vst.msk $0xffff, v2  }
0x7c: {  	s6 =	sshrl.u32 s31, $0x7;
	s0 =	sand.u32 $0x3F80, s29;
	s2 =	sand.u32 $0x78, s2  }
0x7d: {  	s3 =	sshrl.u32 s3, $0x7;
	s4 =	sshrl.u32 s4, $0x7;
	v3 =	vld.idx.msk [tilespmem:v0+s0+$0x40 ss:$0x1], $0xffff;
	s7 =	sxor.u32 $0x40, s2  }
0x7e: {  	s5 =	sshrl.u32 s5, $0x7;
	s6 =	sand.u32 $0x78, s6;
	v4 =	vld.idx.msk [tilespmem:v0+s0+$0x0 ss:$0x1], $0xffff;
	s7 =	smul.u32 $0x204, s7  }
0x7f: {  	s20 =	sand.u32 $0x7F, s1;
	s3 =	sand.u32 $0x78, s3;
	s4 =	sand.u32 $0x78, s4;
	v5 =	vld.idx.msk [tilespmem:v0+s0+$0x10 ss:$0x1], $0xffff  }
0x80: {  	s5 =	sand.u32 $0x78, s5;
	s1 =	smul.u32 $0x204, s2;
	v6 =	vld.idx.msk [tilespmem:v0+s0+$0x20 ss:$0x1], $0xffff;
	s7 =	sshrl.u32 s7, $0x2  }
0x81: {  	s3 =	smul.u32 $0x204, s3;
	v1 =	vld.idx.msk [tilespmem:v0+s0+$0x30 ss:$0x1], $0xffff;
	s2 =	sadd.s32 s7, s28  }
0x82: {  	s2 =	sadd.s32 s20, s2;
	v2 =	vld.idx.msk [tilespmem:v0+s0+$0x50 ss:$0x1], $0xffff;
	s0 =	sshrl.u32 s1, $0x2;
	s1 =	smul.u32 $0x204, s4  }
0x83: {  	s4 =	smul.u32 $0x204, s6;
	[tilespmem:s2+$0x0 ss:$0x81] =	vst.msk $0xffff, v3  }
0x84: {  	s0 =	sadd.s32 s0, s28;
	s2 =	sshrl.u32 s3, $0x2;
	s3 =	smul.u32 $0x204, s5  }
.Ltmp5:
0x85: {  	s2 =	sadd.s32 s2, s28;
	s1 =	sshrl.u32 s1, $0x2;
	(pc) =	sbr.rel @p0 .LBB1_6-.Ltmp5, $4  }
0x86: {  	s0 =	sadd.s32 s20, s0;
	s1 =	sadd.s32 s1, s28;
	s3 =	sshrl.u32 s3, $0x2  }
0x87: {  	[tilespmem:s0+$0x0 ss:$0x81] =	vst.msk $0xffff, v4;
	s0 =	sadd.s32 s20, s2;
	s2 =	sadd.s32 s3, s28;
	s3 =	sshrl.u32 s4, $0x2  }
0x88: {  	[tilespmem:s0+$0x0 ss:$0x81] =	vst.msk $0xffff, v5;
	s0 =	sadd.s32 s20, s1;
	s1 =	sadd.s32 s20, s2;
	s2 =	sadd.s32 s3, s28  }
0x89: {  	s31 =	sadd.s32 $0x8, s31;
	[tilespmem:s0+$0x0 ss:$0x81] =	vst.msk $0xffff, v6;
	s0 =	sadd.s32 s20, s2  }
.LBB1_7:
0x8a: {  	s27 =	sadd.s32 $0x1, s27  }
0x8b: {  	p0 =	sne.s32 s27, s22  }
.Ltmp6:
0x8c: {  	_ = 	snop;
	(pc) =	sbr.rel @p0 .LBB1_5-.Ltmp6, $3  }
0x8d: {  	_ =	sdelay $0x1  }
0x8e: {  	[tilespmem:s1+$0x0 ss:$0x81] =	vst.msk $0xffff, v1  }
0x8f: {  	[tilespmem:s0+$0x0 ss:$0x81] =	vst.msk $0xffff, v2  }
0x90: {  	s26 =	sadd.s32 $0x1, s26  }
0x91: {  	p0 =	sne.s32 s26, s21  }
.Ltmp7:
0x92: {  	_ = 	snop;
	(pc) =	sbr.rel @p0 .LBB1_4-.Ltmp7, $4  }
.Ltmp8:
0x93: {  	_ = 	snop;
	(pc) =	sbr.rel @!p0 .LBB1_9-.Ltmp8, $4  }
0x94: {  	_ = 	snop  }
0x95: {  	_ = 	snop  }
0x96: {  	_ = 	snop  }
0x97: {  	_ = 	snop  }
.LBB1_11:
0x98: {  	_ =	sfence.sel $0x180000  }
0x99: {  	s0 =	simm.s32 $0x1;
	[bflag:$0x0] =	sbarrier.arrive $0xFFFF  }
0x9a: {  	s30 =	simm.s32 $0x2;
	[sflag:s0] =	ssyncpa.u1 $0x1  }
0x9b: {  	[sflag:s30] =	ssyncpa.u1 $0x1  }
0x9c: {  	_ =	strace $0x9000004A  }
0x9d: {  	s31 =	stileid.u32;
	[bflag:$0x2] =	sbarrier.arrive $0xFFFF  }
0x9e: {  	p0 =	sne.s32 s31, $0x0;
	s0 =	rddreg [dreg:$0x2]  }
0x9f: {  	s0 =	sadd.s32 @!p0 $0x100000, s0  }
0xa0: {  	[sflag:s0] =	ssyncadd.tile.s32 @!p0 $0x1;
	_ =	shalt  }
.Lfunc_end1:
_tile_overlayer_lowered:
.L_overlay_start_2:
0xa1: {  	(tag) =	ssettag $0x2  }
0xa2: {  	s0 =	rddreg [dreg:$0x0];
	s2 =	stileid.u32  }
0xa3: {  	s1 =	rddreg [dreg:$0x1];
	p0 =	sne.s32 s2, $0x0  }
0xa4: {  	s3 =	rddreg [dreg:$0x2];
	[bflag:$0x3] =	sbarrier.arrive $0xFFFF;
	s2 =	simm.s32 @!p0 $0x1C01  }
0xa5: {  	[timem:s3], [sflag:s2] =	dma.local @!p0 [hbm:s0], s1  }
0xa6: {  	s0 =	simm.s32 @!p0 $0x1  }
0xa7: {  	_ =	swait.ge @!p0 [sflag:s0], s1  }
0xa8: {  	s1 =	ssub.s32 @!p0 $0x0, s1;
	[sflag:s0] =	ssyncset.done @!p0 $0x0  }
0xa9: {  	[sflag:s0] =	ssyncadd.s32 @!p0 s1  }
0xaa: {  	[bflag:$0x3] =	sbarrier.arrive $0xFFFF  }
0xab: {  	_ =	shalt  }

</sc_bundles>
